<compile_context>
chip_gen: v7x
topology: tpu7x:2x2x1
jax: 0.10.2.dev20260603
libtpu: 0.0.44.dev20260713+nightly
codegen_flags: <defaults>
</compile_context>

<pallas_src>
import jax
import jax.numpy as jnp
from jax import lax
from jax.experimental import pallas as pl
from jax.experimental.pallas import tpu as pltpu
from jax.experimental.pallas import tpu_sc as plsc

_N = 1000000
_NUM_TYPES = 100
_LANES = 16
_NW = 32
_CH = 4096
_NB = 4
_C = 32768
_NCH = _C // _CH
_NGR = _NCH // _NB


def _body(z_hbm, tab_hbm, out_hbm,
          z0, z1, z2, z3, o0, o1, o2, o3, tab_v,
          sz0, sz1, sz2, sz3, so0, so1, so2, so3):
    zs, os = (z0, z1, z2, z3), (o0, o1, o2, o3)
    szs, sos = (sz0, sz1, sz2, sz3), (so0, so1, so2, so3)
    c = lax.axis_index("c")
    s = lax.axis_index("s")
    wid = s * 2 + c
    base = ((wid * (_N - _C)) // (_NW - 1)) // 8 * 8
    pltpu.sync_copy(tab_hbm, tab_v)

    def start_in(k, b):
        off = base + k * _CH
        pltpu.async_copy(z_hbm.at[pl.ds(off, _CH)], zs[b], szs[b])

    for b in range(_NB):
        start_in(b, b)

    def group(g, carry):
        for b in range(_NB):
            k = g * _NB + b
            pltpu.make_async_copy(
                z_hbm.at[pl.ds(0, _CH)], zs[b], szs[b]).wait()

            @pl.when(g > 0)
            def _():
                pltpu.make_async_copy(
                    os[b], out_hbm.at[pl.ds(0, _CH)], sos[b]).wait()

            zb, ob = zs[b], os[b]

            @plsc.parallel_loop(0, _CH, step=_LANES, unroll=16)
            def _gather(i):
                sl = pl.ds(i, _LANES)
                ob[sl] = plsc.load_gather(tab_v, [zb[sl]])

            pltpu.async_copy(
                ob, out_hbm.at[pl.ds(base + k * _CH, _CH)], sos[b])

            @pl.when(g < _NGR - 1)
            def _():
                start_in(k + _NB, b)
        return carry

    lax.fori_loop(0, _NGR, group, None)
    for b in range(_NB):
        pltpu.make_async_copy(
            os[b], out_hbm.at[pl.ds(0, _CH)], sos[b]).wait()


def kernel(x, z, pos, batch, atomref):
    del pos, batch
    mesh = plsc.VectorSubcoreMesh(core_axis_name="c", subcore_axis_name="s")
    run = pl.kernel(
        _body,
        out_type=jax.ShapeDtypeStruct((_N,), jnp.float32),
        mesh=mesh,
        compiler_params=pltpu.CompilerParams(needs_layout_passes=False),
        scratch_types=(
            [pltpu.VMEM((_CH,), jnp.int32)] * 4
            + [pltpu.VMEM((_CH,), jnp.float32)] * 4
            + [pltpu.VMEM((_NUM_TYPES,), jnp.float32)]
            + [pltpu.SemaphoreType.DMA] * 8
        ),
    )
    g = run(z, atomref.reshape(_NUM_TYPES))
    return x + jax.lax.broadcast_in_dim(g, (_N, 1), (0,))

# --- scband reference (transcript-rebuilt; emitter-appended) ---
"""Pipeline reference for scband-atomref-67551245632090 (READ-ONLY COPY).

The authoritative reference and input builder live on the scoring server;
editing this copy changes nothing except your own understanding.
"""

import jax, jax.numpy as jnp
import numpy as np

N = 1000000
NUM_TYPES = 100
NUM_MOLS = 8192

def setup_inputs(seed: int = 0):
    key = jax.random.key(seed)
    k1, k2, k3, k4 = jax.random.split(key, 4)
    x = jax.random.normal(k1, (N, 1), dtype=jnp.float32)
    z = jax.random.randint(k2, (N,), 0, NUM_TYPES, dtype=jnp.int32)
    pos = jax.random.normal(k3, (N, 3), dtype=jnp.float32)
    batch = jnp.sort(jax.random.randint(k4, (N,), 0, NUM_MOLS, dtype=jnp.int32))
    atomref = (jnp.arange(NUM_TYPES, dtype=jnp.float32) * 0.01).reshape(NUM_TYPES, 1)
    return {"x": x, "z": z, "pos": pos, "batch": batch, "atomref": atomref}

def reference(x, z, pos, batch, atomref):
    # Atomref.forward: x + self.atomref(z)
    # embedding lookup == row gather from the atomref table
    return x + jnp.take(atomref, z, axis=0)

if __name__ == "__main__":
    import jax
    _d = setup_inputs()
    print(jax.jit(kernel)(*tuple(_d.values())))

</pallas_src>

<mosaic_0001>
#map = affine_map<(d0, d1) -> (0)>
module attributes {stable_mosaic.version = 14 : i64} {
  func.func @_body(%arg0: i32, %arg1: i32, %arg2: memref<1000000xi32, #tpu.memory_space<hbm>>, %arg3: memref<100xf32, #tpu.memory_space<hbm>>, %arg4: memref<1000000xf32, #tpu.memory_space<hbm>>, %arg5: memref<4096xi32, #tpu.memory_space<vmem>>, %arg6: memref<4096xi32, #tpu.memory_space<vmem>>, %arg7: memref<4096xi32, #tpu.memory_space<vmem>>, %arg8: memref<4096xi32, #tpu.memory_space<vmem>>, %arg9: memref<4096xf32, #tpu.memory_space<vmem>>, %arg10: memref<4096xf32, #tpu.memory_space<vmem>>, %arg11: memref<4096xf32, #tpu.memory_space<vmem>>, %arg12: memref<4096xf32, #tpu.memory_space<vmem>>, %arg13: memref<100xf32, #tpu.memory_space<vmem>>, %arg14: memref<!tpu.dma_semaphore, #tpu.memory_space<semaphore_mem>>, %arg15: memref<!tpu.dma_semaphore, #tpu.memory_space<semaphore_mem>>, %arg16: memref<!tpu.dma_semaphore, #tpu.memory_space<semaphore_mem>>, %arg17: memref<!tpu.dma_semaphore, #tpu.memory_space<semaphore_mem>>, %arg18: memref<!tpu.dma_semaphore, #tpu.memory_space<semaphore_mem>>, %arg19: memref<!tpu.dma_semaphore, #tpu.memory_space<semaphore_mem>>, %arg20: memref<!tpu.dma_semaphore, #tpu.memory_space<semaphore_mem>>, %arg21: memref<!tpu.dma_semaphore, #tpu.memory_space<semaphore_mem>>) attributes {dimension_semantics = [#tpu.dimension_semantics<core_parallel>, #tpu.dimension_semantics<subcore_parallel>], iteration_bounds = array<i64: 2, 16>, scalar_prefetch = 0 : i64, scratch_operands = 17 : i64, tpu.core_type = #tpu.core_type<sc_vector_subcore>, window_params = [{transform_indices = #map}, {transform_indices = #map}, {transform_indices = #map}]} {
    %mul3A = arith.constant 2 : i32
    %mul3A_0 = arith.muli %arg1, %mul3A : i32
    %add3A = arith.addi %mul3A_0, %arg0 : i32
    %mul3A_1 = arith.constant 967232 : i32
    %mul3A_2 = arith.muli %add3A, %mul3A_1 : i32
    %jit3A = arith.constant 31 : i32
    %div3A = arith.divsi %mul3A_2, %jit3A : i32
    %sign3A = arith.constant 0 : i32
    %sign3A_3 = arith.cmpi sgt, %mul3A_2, %sign3A : i32
    %sign3A_4 = arith.extui %sign3A_3 : i1 to i32
    %sign3A_5 = arith.constant 0 : i32
    %sign3A_6 = arith.cmpi slt, %mul3A_2, %sign3A_5 : i32
    %sign3A_7 = arith.extui %sign3A_6 : i1 to i32
    %sign3A_8 = arith.subi %sign3A_4, %sign3A_7 : i32
    %sign3A_9 = arith.constant 0 : i32
    %sign3A_10 = arith.cmpi sgt, %jit3A, %sign3A_9 : i32
    %sign3A_11 = arith.extui %sign3A_10 : i1 to i32
    %sign3A_12 = arith.constant 0 : i32
    %sign3A_13 = arith.cmpi slt, %jit3A, %sign3A_12 : i32
    %sign3A_14 = arith.extui %sign3A_13 : i1 to i32
    %sign3A_15 = arith.subi %sign3A_11, %sign3A_14 : i32
    %ne3A = arith.cmpi ne, %sign3A_8, %sign3A_15 : i32
    %rem3A = arith.remsi %mul3A_2, %jit3A : i32
    %ne3A_16 = arith.constant 0 : i32
    %ne3A_17 = arith.cmpi ne, %rem3A, %ne3A_16 : i32
    %and3A = arith.andi %ne3A, %ne3A_17 : i1
    %sub3A = arith.constant 1 : i32
    %sub3A_18 = arith.subi %div3A, %sub3A : i32
    %select_n3A = arith.select %and3A, %sub3A_18, %div3A : i32
    %jit3A_19 = arith.constant 8 : i32
    %div3A_20 = arith.divsi %select_n3A, %jit3A_19 : i32
    %sign3A_21 = arith.constant 0 : i32
    %sign3A_22 = arith.cmpi sgt, %select_n3A, %sign3A_21 : i32
    %sign3A_23 = arith.extui %sign3A_22 : i1 to i32
    %sign3A_24 = arith.constant 0 : i32
    %sign3A_25 = arith.cmpi slt, %select_n3A, %sign3A_24 : i32
    %sign3A_26 = arith.extui %sign3A_25 : i1 to i32
    %sign3A_27 = arith.subi %sign3A_23, %sign3A_26 : i32
    %sign3A_28 = arith.constant 0 : i32
    %sign3A_29 = arith.cmpi sgt, %jit3A_19, %sign3A_28 : i32
    %sign3A_30 = arith.extui %sign3A_29 : i1 to i32
    %sign3A_31 = arith.constant 0 : i32
    %sign3A_32 = arith.cmpi slt, %jit3A_19, %sign3A_31 : i32
    %sign3A_33 = arith.extui %sign3A_32 : i1 to i32
    %sign3A_34 = arith.subi %sign3A_30, %sign3A_33 : i32
    %ne3A_35 = arith.cmpi ne, %sign3A_27, %sign3A_34 : i32
    %rem3A_36 = arith.remsi %select_n3A, %jit3A_19 : i32
    %ne3A_37 = arith.constant 0 : i32
    %ne3A_38 = arith.cmpi ne, %rem3A_36, %ne3A_37 : i32
    %and3A_39 = arith.andi %ne3A_35, %ne3A_38 : i1
    %sub3A_40 = arith.constant 1 : i32
    %sub3A_41 = arith.subi %div3A_20, %sub3A_40 : i32
    %select_n3A_42 = arith.select %and3A_39, %sub3A_41, %div3A_20 : i32
    %mul3A_43 = arith.constant 8 : i32
    %mul3A_44 = arith.muli %select_n3A_42, %mul3A_43 : i32
    "tpu.region"() ({
      %run_scoped3A = tpu.sem_alloc : memref<!tpu.dma_semaphore, #tpu.memory_space<semaphore_mem>>
      tpu.enqueue_dma source(%arg3 : memref<100xf32, #tpu.memory_space<hbm>>) target(%arg13 : memref<100xf32, #tpu.memory_space<vmem>>) target_semaphore(%run_scoped3A : memref<!tpu.dma_semaphore, #tpu.memory_space<semaphore_mem>>)
      tpu.wait_dma2 semaphore(%run_scoped3A : memref<!tpu.dma_semaphore, #tpu.memory_space<semaphore_mem>>) src(%arg3 : memref<100xf32, #tpu.memory_space<hbm>>) dst(%arg13 : memref<100xf32, #tpu.memory_space<vmem>>)
      tpu.yield
    }) : () -> ()
    %add3A_45 = arith.constant 0 : i32
    %add3A_46 = arith.addi %mul3A_44, %add3A_45 : i32
    %dma_start3A = tpu.memref_slice %arg2[%add3A_46] : memref<1000000xi32, #tpu.memory_space<hbm>> -> memref<4096xi32, #tpu.memory_space<hbm>>
    %dma_start3A_47 = tpu.memref_slice %arg2[%add3A_46] : memref<1000000xi32, #tpu.memory_space<hbm>> -> memref<4096xi32, #tpu.memory_space<hbm>>
    tpu.enqueue_dma source(%dma_start3A_47 : memref<4096xi32, #tpu.memory_space<hbm>>) target(%arg5 : memref<4096xi32, #tpu.memory_space<vmem>>) target_semaphore(%arg14 : memref<!tpu.dma_semaphore, #tpu.memory_space<semaphore_mem>>)
    %add3A_48 = arith.constant 4096 : i32
    %add3A_49 = arith.addi %mul3A_44, %add3A_48 : i32
    %dma_start3A_50 = tpu.memref_slice %arg2[%add3A_49] : memref<1000000xi32, #tpu.memory_space<hbm>> -> memref<4096xi32, #tpu.memory_space<hbm>>
    %dma_start3A_51 = tpu.memref_slice %arg2[%add3A_49] : memref<1000000xi32, #tpu.memory_space<hbm>> -> memref<4096xi32, #tpu.memory_space<hbm>>
    tpu.enqueue_dma source(%dma_start3A_51 : memref<4096xi32, #tpu.memory_space<hbm>>) target(%arg6 : memref<4096xi32, #tpu.memory_space<vmem>>) target_semaphore(%arg15 : memref<!tpu.dma_semaphore, #tpu.memory_space<semaphore_mem>>)
    %add3A_52 = arith.constant 8192 : i32
    %add3A_53 = arith.addi %mul3A_44, %add3A_52 : i32
    %dma_start3A_54 = tpu.memref_slice %arg2[%add3A_53] : memref<1000000xi32, #tpu.memory_space<hbm>> -> memref<4096xi32, #tpu.memory_space<hbm>>
    %dma_start3A_55 = tpu.memref_slice %arg2[%add3A_53] : memref<1000000xi32, #tpu.memory_space<hbm>> -> memref<4096xi32, #tpu.memory_space<hbm>>
    tpu.enqueue_dma source(%dma_start3A_55 : memref<4096xi32, #tpu.memory_space<hbm>>) target(%arg7 : memref<4096xi32, #tpu.memory_space<vmem>>) target_semaphore(%arg16 : memref<!tpu.dma_semaphore, #tpu.memory_space<semaphore_mem>>)
    %add3A_56 = arith.constant 12288 : i32
    %add3A_57 = arith.addi %mul3A_44, %add3A_56 : i32
    %dma_start3A_58 = tpu.memref_slice %arg2[%add3A_57] : memref<1000000xi32, #tpu.memory_space<hbm>> -> memref<4096xi32, #tpu.memory_space<hbm>>
    %dma_start3A_59 = tpu.memref_slice %arg2[%add3A_57] : memref<1000000xi32, #tpu.memory_space<hbm>> -> memref<4096xi32, #tpu.memory_space<hbm>>
    tpu.enqueue_dma source(%dma_start3A_59 : memref<4096xi32, #tpu.memory_space<hbm>>) target(%arg8 : memref<4096xi32, #tpu.memory_space<vmem>>) target_semaphore(%arg17 : memref<!tpu.dma_semaphore, #tpu.memory_space<semaphore_mem>>)
    %scan3A = arith.constant 0 : i32
    %scan3A_60 = arith.constant 2 : i32
    %scan3A_61 = arith.addi %scan3A, %scan3A_60 : i32
    %scan3A_62 = arith.constant 1 : i32
    scf.for %scan3A_79 = %scan3A to %scan3A_61 step %scan3A_62  : i32 {
      %mul3A_80 = arith.constant 4 : i32
      %mul3A_81 = arith.muli %scan3A_79, %mul3A_80 : i32
      %add3A_82 = arith.constant 0 : i32
      %add3A_83 = arith.addi %mul3A_81, %add3A_82 : i32
      %dma_wait3A_84 = arith.constant 0 : i32
      %dma_wait3A_85 = tpu.memref_slice %arg2[%dma_wait3A_84] : memref<1000000xi32, #tpu.memory_space<hbm>> -> memref<4096xi32, #tpu.memory_space<hbm>>
      %dma_wait3A_86 = arith.constant 0 : i32
      %dma_wait3A_87 = tpu.memref_slice %arg2[%dma_wait3A_86] : memref<1000000xi32, #tpu.memory_space<hbm>> -> memref<4096xi32, #tpu.memory_space<hbm>>
      tpu.wait_dma2 semaphore(%arg14 : memref<!tpu.dma_semaphore, #tpu.memory_space<semaphore_mem>>) src(%dma_wait3A_87 : memref<4096xi32, #tpu.memory_space<hbm>>) dst(%arg5 : memref<4096xi32, #tpu.memory_space<vmem>>)
      %gt3A = arith.constant 0 : i32
      %gt3A_88 = arith.cmpi sgt, %scan3A_79, %gt3A : i32
      %convert_element_type3A = arith.extui %gt3A_88 : i1 to i32
      %cond3A = arith.constant 0 : i32
      %cond3A_89 = arith.cmpi ne, %convert_element_type3A, %cond3A : i32
      scf.if %cond3A_89 {
        %dma_wait3A_179 = arith.constant 0 : i32
        %dma_wait3A_180 = tpu.memref_slice %arg4[%dma_wait3A_179] : memref<1000000xf32, #tpu.memory_space<hbm>> -> memref<4096xf32, #tpu.memory_space<hbm>>
        %dma_wait3A_181 = arith.constant 0 : i32
        %dma_wait3A_182 = tpu.memref_slice %arg4[%dma_wait3A_181] : memref<1000000xf32, #tpu.memory_space<hbm>> -> memref<4096xf32, #tpu.memory_space<hbm>>
        tpu.wait_dma2 semaphore(%arg18 : memref<!tpu.dma_semaphore, #tpu.memory_space<semaphore_mem>>) src(%arg9 : memref<4096xf32, #tpu.memory_space<vmem>>) dst(%dma_wait3A_182 : memref<4096xf32, #tpu.memory_space<hbm>>)
      } else {
      }
      %parallel_loop3A = arith.constant 0 : i32
      %parallel_loop3A_90 = arith.constant 4096 : i32
      %parallel_loop3A_91 = arith.constant 16 : i32
      scf.for %parallel_loop3A_179 = %parallel_loop3A to %parallel_loop3A_90 step %parallel_loop3A_91  : i32 {
        %parallel_loop3A_180 = arith.index_cast %parallel_loop3A_179 : i32 to index
        %parallel_loop3A_181 = tpu.vector_load %arg5[%parallel_loop3A_180] {strides = array<i32>} : memref<4096xi32, #tpu.memory_space<vmem>>, vector<16xi32>,
        %parallel_loop3A_182 = tpu.vector_load_idx %arg13[%parallel_loop3A_181] : memref<100xf32, #tpu.memory_space<vmem>>[vector<16xi32>], vector<16xf32>,
        %parallel_loop3A_183 = arith.index_cast %parallel_loop3A_179 : i32 to index
        %parallel_loop3A_184 = tpu.vector_load %arg9[%parallel_loop3A_183] {strides = array<i32>} : memref<4096xf32, #tpu.memory_space<vmem>>, vector<16xf32>,
        tpu.vector_store %arg9[%parallel_loop3A_183], %parallel_loop3A_182 {strides = array<i32>} : memref<4096xf32, #tpu.memory_space<vmem>>, vector<16xf32>,
      } {sc.loop_unroll_factor = 16 : i64, sc.parallel_access}
      %mul3A_92 = arith.constant 4096 : i32
      %mul3A_93 = arith.muli %add3A_83, %mul3A_92 : i32
      %add3A_94 = arith.addi %mul3A_44, %mul3A_93 : i32
      %dma_start3A_95 = tpu.memref_slice %arg4[%add3A_94] : memref<1000000xf32, #tpu.memory_space<hbm>> -> memref<4096xf32, #tpu.memory_space<hbm>>
      %dma_start3A_96 = tpu.memref_slice %arg4[%add3A_94] : memref<1000000xf32, #tpu.memory_space<hbm>> -> memref<4096xf32, #tpu.memory_space<hbm>>
      tpu.enqueue_dma source(%arg9 : memref<4096xf32, #tpu.memory_space<vmem>>) target(%dma_start3A_96 : memref<4096xf32, #tpu.memory_space<hbm>>) target_semaphore(%arg18 : memref<!tpu.dma_semaphore, #tpu.memory_space<semaphore_mem>>)
      %lt3A = arith.constant 1 : i32
      %lt3A_97 = arith.cmpi slt, %scan3A_79, %lt3A : i32
      %convert_element_type3A_98 = arith.extui %lt3A_97 : i1 to i32
      %cond3A_99 = arith.constant 0 : i32
      %cond3A_100 = arith.cmpi ne, %convert_element_type3A_98, %cond3A_99 : i32
      scf.if %cond3A_100 {
        %add3A_179 = arith.constant 4 : i32
        %add3A_180 = arith.addi %add3A_83, %add3A_179 : i32
        %mul3A_181 = arith.constant 4096 : i32
        %mul3A_182 = arith.muli %add3A_180, %mul3A_181 : i32
        %add3A_183 = arith.addi %mul3A_44, %mul3A_182 : i32
        %dma_start3A_184 = tpu.memref_slice %arg2[%add3A_183] : memref<1000000xi32, #tpu.memory_space<hbm>> -> memref<4096xi32, #tpu.memory_space<hbm>>
        %dma_start3A_185 = tpu.memref_slice %arg2[%add3A_183] : memref<1000000xi32, #tpu.memory_space<hbm>> -> memref<4096xi32, #tpu.memory_space<hbm>>
        tpu.enqueue_dma source(%dma_start3A_185 : memref<4096xi32, #tpu.memory_space<hbm>>) target(%arg5 : memref<4096xi32, #tpu.memory_space<vmem>>) target_semaphore(%arg14 : memref<!tpu.dma_semaphore, #tpu.memory_space<semaphore_mem>>)
      } else {
      }
      %mul3A_101 = arith.constant 4 : i32
      %mul3A_102 = arith.muli %scan3A_79, %mul3A_101 : i32
      %add3A_103 = arith.constant 1 : i32
      %add3A_104 = arith.addi %mul3A_102, %add3A_103 : i32
      %dma_wait3A_105 = arith.constant 0 : i32
      %dma_wait3A_106 = tpu.memref_slice %arg2[%dma_wait3A_105] : memref<1000000xi32, #tpu.memory_space<hbm>> -> memref<4096xi32, #tpu.memory_space<hbm>>
      %dma_wait3A_107 = arith.constant 0 : i32
      %dma_wait3A_108 = tpu.memref_slice %arg2[%dma_wait3A_107] : memref<1000000xi32, #tpu.memory_space<hbm>> -> memref<4096xi32, #tpu.memory_space<hbm>>
      tpu.wait_dma2 semaphore(%arg15 : memref<!tpu.dma_semaphore, #tpu.memory_space<semaphore_mem>>) src(%dma_wait3A_108 : memref<4096xi32, #tpu.memory_space<hbm>>) dst(%arg6 : memref<4096xi32, #tpu.memory_space<vmem>>)
      %gt3A_109 = arith.constant 0 : i32
      %gt3A_110 = arith.cmpi sgt, %scan3A_79, %gt3A_109 : i32
      %convert_element_type3A_111 = arith.extui %gt3A_110 : i1 to i32
      %cond3A_112 = arith.constant 0 : i32
      %cond3A_113 = arith.cmpi ne, %convert_element_type3A_111, %cond3A_112 : i32
      scf.if %cond3A_113 {
        %dma_wait3A_179 = arith.constant 0 : i32
        %dma_wait3A_180 = tpu.memref_slice %arg4[%dma_wait3A_179] : memref<1000000xf32, #tpu.memory_space<hbm>> -> memref<4096xf32, #tpu.memory_space<hbm>>
        %dma_wait3A_181 = arith.constant 0 : i32
        %dma_wait3A_182 = tpu.memref_slice %arg4[%dma_wait3A_181] : memref<1000000xf32, #tpu.memory_space<hbm>> -> memref<4096xf32, #tpu.memory_space<hbm>>
        tpu.wait_dma2 semaphore(%arg19 : memref<!tpu.dma_semaphore, #tpu.memory_space<semaphore_mem>>) src(%arg10 : memref<4096xf32, #tpu.memory_space<vmem>>) dst(%dma_wait3A_182 : memref<4096xf32, #tpu.memory_space<hbm>>)
      } else {
      }
      %parallel_loop3A_114 = arith.constant 0 : i32
      %parallel_loop3A_115 = arith.constant 4096 : i32
      %parallel_loop3A_116 = arith.constant 16 : i32
      scf.for %parallel_loop3A_179 = %parallel_loop3A_114 to %parallel_loop3A_115 step %parallel_loop3A_116  : i32 {
        %parallel_loop3A_180 = arith.index_cast %parallel_loop3A_179 : i32 to index
        %parallel_loop3A_181 = tpu.vector_load %arg6[%parallel_loop3A_180] {strides = array<i32>} : memref<4096xi32, #tpu.memory_space<vmem>>, vector<16xi32>,
        %parallel_loop3A_182 = tpu.vector_load_idx %arg13[%parallel_loop3A_181] : memref<100xf32, #tpu.memory_space<vmem>>[vector<16xi32>], vector<16xf32>,
        %parallel_loop3A_183 = arith.index_cast %parallel_loop3A_179 : i32 to index
        %parallel_loop3A_184 = tpu.vector_load %arg10[%parallel_loop3A_183] {strides = array<i32>} : memref<4096xf32, #tpu.memory_space<vmem>>, vector<16xf32>,
        tpu.vector_store %arg10[%parallel_loop3A_183], %parallel_loop3A_182 {strides = array<i32>} : memref<4096xf32, #tpu.memory_space<vmem>>, vector<16xf32>,
      } {sc.loop_unroll_factor = 16 : i64, sc.parallel_access}
      %mul3A_117 = arith.constant 4096 : i32
      %mul3A_118 = arith.muli %add3A_104, %mul3A_117 : i32
      %add3A_119 = arith.addi %mul3A_44, %mul3A_118 : i32
      %dma_start3A_120 = tpu.memref_slice %arg4[%add3A_119] : memref<1000000xf32, #tpu.memory_space<hbm>> -> memref<4096xf32, #tpu.memory_space<hbm>>
      %dma_start3A_121 = tpu.memref_slice %arg4[%add3A_119] : memref<1000000xf32, #tpu.memory_space<hbm>> -> memref<4096xf32, #tpu.memory_space<hbm>>
      tpu.enqueue_dma source(%arg10 : memref<4096xf32, #tpu.memory_space<vmem>>) target(%dma_start3A_121 : memref<4096xf32, #tpu.memory_space<hbm>>) target_semaphore(%arg19 : memref<!tpu.dma_semaphore, #tpu.memory_space<semaphore_mem>>)
      %lt3A_122 = arith.constant 1 : i32
      %lt3A_123 = arith.cmpi slt, %scan3A_79, %lt3A_122 : i32
      %convert_element_type3A_124 = arith.extui %lt3A_123 : i1 to i32
      %cond3A_125 = arith.constant 0 : i32
      %cond3A_126 = arith.cmpi ne, %convert_element_type3A_124, %cond3A_125 : i32
      scf.if %cond3A_126 {
        %add3A_179 = arith.constant 4 : i32
        %add3A_180 = arith.addi %add3A_104, %add3A_179 : i32
        %mul3A_181 = arith.constant 4096 : i32
        %mul3A_182 = arith.muli %add3A_180, %mul3A_181 : i32
        %add3A_183 = arith.addi %mul3A_44, %mul3A_182 : i32
        %dma_start3A_184 = tpu.memref_slice %arg2[%add3A_183] : memref<1000000xi32, #tpu.memory_space<hbm>> -> memref<4096xi32, #tpu.memory_space<hbm>>
        %dma_start3A_185 = tpu.memref_slice %arg2[%add3A_183] : memref<1000000xi32, #tpu.memory_space<hbm>> -> memref<4096xi32, #tpu.memory_space<hbm>>
        tpu.enqueue_dma source(%dma_start3A_185 : memref<4096xi32, #tpu.memory_space<hbm>>) target(%arg6 : memref<4096xi32, #tpu.memory_space<vmem>>) target_semaphore(%arg15 : memref<!tpu.dma_semaphore, #tpu.memory_space<semaphore_mem>>)
      } else {
      }
      %mul3A_127 = arith.constant 4 : i32
      %mul3A_128 = arith.muli %scan3A_79, %mul3A_127 : i32
      %add3A_129 = arith.constant 2 : i32
      %add3A_130 = arith.addi %mul3A_128, %add3A_129 : i32
      %dma_wait3A_131 = arith.constant 0 : i32
      %dma_wait3A_132 = tpu.memref_slice %arg2[%dma_wait3A_131] : memref<1000000xi32, #tpu.memory_space<hbm>> -> memref<4096xi32, #tpu.memory_space<hbm>>
      %dma_wait3A_133 = arith.constant 0 : i32
      %dma_wait3A_134 = tpu.memref_slice %arg2[%dma_wait3A_133] : memref<1000000xi32, #tpu.memory_space<hbm>> -> memref<4096xi32, #tpu.memory_space<hbm>>
      tpu.wait_dma2 semaphore(%arg16 : memref<!tpu.dma_semaphore, #tpu.memory_space<semaphore_mem>>) src(%dma_wait3A_134 : memref<4096xi32, #tpu.memory_space<hbm>>) dst(%arg7 : memref<4096xi32, #tpu.memory_space<vmem>>)
      %gt3A_135 = arith.constant 0 : i32
      %gt3A_136 = arith.cmpi sgt, %scan3A_79, %gt3A_135 : i32
      %convert_element_type3A_137 = arith.extui %gt3A_136 : i1 to i32
      %cond3A_138 = arith.constant 0 : i32
      %cond3A_139 = arith.cmpi ne, %convert_element_type3A_137, %cond3A_138 : i32
      scf.if %cond3A_139 {
        %dma_wait3A_179 = arith.constant 0 : i32
        %dma_wait3A_180 = tpu.memref_slice %arg4[%dma_wait3A_179] : memref<1000000xf32, #tpu.memory_space<hbm>> -> memref<4096xf32, #tpu.memory_space<hbm>>
        %dma_wait3A_181 = arith.constant 0 : i32
        %dma_wait3A_182 = tpu.memref_slice %arg4[%dma_wait3A_181] : memref<1000000xf32, #tpu.memory_space<hbm>> -> memref<4096xf32, #tpu.memory_space<hbm>>
        tpu.wait_dma2 semaphore(%arg20 : memref<!tpu.dma_semaphore, #tpu.memory_space<semaphore_mem>>) src(%arg11 : memref<4096xf32, #tpu.memory_space<vmem>>) dst(%dma_wait3A_182 : memref<4096xf32, #tpu.memory_space<hbm>>)
      } else {
      }
      %parallel_loop3A_140 = arith.constant 0 : i32
      %parallel_loop3A_141 = arith.constant 4096 : i32
      %parallel_loop3A_142 = arith.constant 16 : i32
      scf.for %parallel_loop3A_179 = %parallel_loop3A_140 to %parallel_loop3A_141 step %parallel_loop3A_142  : i32 {
        %parallel_loop3A_180 = arith.index_cast %parallel_loop3A_179 : i32 to index
        %parallel_loop3A_181 = tpu.vector_load %arg7[%parallel_loop3A_180] {strides = array<i32>} : memref<4096xi32, #tpu.memory_space<vmem>>, vector<16xi32>,
        %parallel_loop3A_182 = tpu.vector_load_idx %arg13[%parallel_loop3A_181] : memref<100xf32, #tpu.memory_space<vmem>>[vector<16xi32>], vector<16xf32>,
        %parallel_loop3A_183 = arith.index_cast %parallel_loop3A_179 : i32 to index
        %parallel_loop3A_184 = tpu.vector_load %arg11[%parallel_loop3A_183] {strides = array<i32>} : memref<4096xf32, #tpu.memory_space<vmem>>, vector<16xf32>,
        tpu.vector_store %arg11[%parallel_loop3A_183], %parallel_loop3A_182 {strides = array<i32>} : memref<4096xf32, #tpu.memory_space<vmem>>, vector<16xf32>,
      } {sc.loop_unroll_factor = 16 : i64, sc.parallel_access}
      %mul3A_143 = arith.constant 4096 : i32
      %mul3A_144 = arith.muli %add3A_130, %mul3A_143 : i32
      %add3A_145 = arith.addi %mul3A_44, %mul3A_144 : i32
      %dma_start3A_146 = tpu.memref_slice %arg4[%add3A_145] : memref<1000000xf32, #tpu.memory_space<hbm>> -> memref<4096xf32, #tpu.memory_space<hbm>>
      %dma_start3A_147 = tpu.memref_slice %arg4[%add3A_145] : memref<1000000xf32, #tpu.memory_space<hbm>> -> memref<4096xf32, #tpu.memory_space<hbm>>
      tpu.enqueue_dma source(%arg11 : memref<4096xf32, #tpu.memory_space<vmem>>) target(%dma_start3A_147 : memref<4096xf32, #tpu.memory_space<hbm>>) target_semaphore(%arg20 : memref<!tpu.dma_semaphore, #tpu.memory_space<semaphore_mem>>)
      %lt3A_148 = arith.constant 1 : i32
      %lt3A_149 = arith.cmpi slt, %scan3A_79, %lt3A_148 : i32
      %convert_element_type3A_150 = arith.extui %lt3A_149 : i1 to i32
      %cond3A_151 = arith.constant 0 : i32
      %cond3A_152 = arith.cmpi ne, %convert_element_type3A_150, %cond3A_151 : i32
      scf.if %cond3A_152 {
        %add3A_179 = arith.constant 4 : i32
        %add3A_180 = arith.addi %add3A_130, %add3A_179 : i32
        %mul3A_181 = arith.constant 4096 : i32
        %mul3A_182 = arith.muli %add3A_180, %mul3A_181 : i32
        %add3A_183 = arith.addi %mul3A_44, %mul3A_182 : i32
        %dma_start3A_184 = tpu.memref_slice %arg2[%add3A_183] : memref<1000000xi32, #tpu.memory_space<hbm>> -> memref<4096xi32, #tpu.memory_space<hbm>>
        %dma_start3A_185 = tpu.memref_slice %arg2[%add3A_183] : memref<1000000xi32, #tpu.memory_space<hbm>> -> memref<4096xi32, #tpu.memory_space<hbm>>
        tpu.enqueue_dma source(%dma_start3A_185 : memref<4096xi32, #tpu.memory_space<hbm>>) target(%arg7 : memref<4096xi32, #tpu.memory_space<vmem>>) target_semaphore(%arg16 : memref<!tpu.dma_semaphore, #tpu.memory_space<semaphore_mem>>)
      } else {
      }
      %mul3A_153 = arith.constant 4 : i32
      %mul3A_154 = arith.muli %scan3A_79, %mul3A_153 : i32
      %add3A_155 = arith.constant 3 : i32
      %add3A_156 = arith.addi %mul3A_154, %add3A_155 : i32
      %dma_wait3A_157 = arith.constant 0 : i32
      %dma_wait3A_158 = tpu.memref_slice %arg2[%dma_wait3A_157] : memref<1000000xi32, #tpu.memory_space<hbm>> -> memref<4096xi32, #tpu.memory_space<hbm>>
      %dma_wait3A_159 = arith.constant 0 : i32
      %dma_wait3A_160 = tpu.memref_slice %arg2[%dma_wait3A_159] : memref<1000000xi32, #tpu.memory_space<hbm>> -> memref<4096xi32, #tpu.memory_space<hbm>>
      tpu.wait_dma2 semaphore(%arg17 : memref<!tpu.dma_semaphore, #tpu.memory_space<semaphore_mem>>) src(%dma_wait3A_160 : memref<4096xi32, #tpu.memory_space<hbm>>) dst(%arg8 : memref<4096xi32, #tpu.memory_space<vmem>>)
      %gt3A_161 = arith.constant 0 : i32
      %gt3A_162 = arith.cmpi sgt, %scan3A_79, %gt3A_161 : i32
      %convert_element_type3A_163 = arith.extui %gt3A_162 : i1 to i32
      %cond3A_164 = arith.constant 0 : i32
      %cond3A_165 = arith.cmpi ne, %convert_element_type3A_163, %cond3A_164 : i32
      scf.if %cond3A_165 {
        %dma_wait3A_179 = arith.constant 0 : i32
        %dma_wait3A_180 = tpu.memref_slice %arg4[%dma_wait3A_179] : memref<1000000xf32, #tpu.memory_space<hbm>> -> memref<4096xf32, #tpu.memory_space<hbm>>
        %dma_wait3A_181 = arith.constant 0 : i32
        %dma_wait3A_182 = tpu.memref_slice %arg4[%dma_wait3A_181] : memref<1000000xf32, #tpu.memory_space<hbm>> -> memref<4096xf32, #tpu.memory_space<hbm>>
        tpu.wait_dma2 semaphore(%arg21 : memref<!tpu.dma_semaphore, #tpu.memory_space<semaphore_mem>>) src(%arg12 : memref<4096xf32, #tpu.memory_space<vmem>>) dst(%dma_wait3A_182 : memref<4096xf32, #tpu.memory_space<hbm>>)
      } else {
      }
      %parallel_loop3A_166 = arith.constant 0 : i32
      %parallel_loop3A_167 = arith.constant 4096 : i32
      %parallel_loop3A_168 = arith.constant 16 : i32
      scf.for %parallel_loop3A_179 = %parallel_loop3A_166 to %parallel_loop3A_167 step %parallel_loop3A_168  : i32 {
        %parallel_loop3A_180 = arith.index_cast %parallel_loop3A_179 : i32 to index
        %parallel_loop3A_181 = tpu.vector_load %arg8[%parallel_loop3A_180] {strides = array<i32>} : memref<4096xi32, #tpu.memory_space<vmem>>, vector<16xi32>,
        %parallel_loop3A_182 = tpu.vector_load_idx %arg13[%parallel_loop3A_181] : memref<100xf32, #tpu.memory_space<vmem>>[vector<16xi32>], vector<16xf32>,
        %parallel_loop3A_183 = arith.index_cast %parallel_loop3A_179 : i32 to index
        %parallel_loop3A_184 = tpu.vector_load %arg12[%parallel_loop3A_183] {strides = array<i32>} : memref<4096xf32, #tpu.memory_space<vmem>>, vector<16xf32>,
        tpu.vector_store %arg12[%parallel_loop3A_183], %parallel_loop3A_182 {strides = array<i32>} : memref<4096xf32, #tpu.memory_space<vmem>>, vector<16xf32>,
      } {sc.loop_unroll_factor = 16 : i64, sc.parallel_access}
      %mul3A_169 = arith.constant 4096 : i32
      %mul3A_170 = arith.muli %add3A_156, %mul3A_169 : i32
      %add3A_171 = arith.addi %mul3A_44, %mul3A_170 : i32
      %dma_start3A_172 = tpu.memref_slice %arg4[%add3A_171] : memref<1000000xf32, #tpu.memory_space<hbm>> -> memref<4096xf32, #tpu.memory_space<hbm>>
      %dma_start3A_173 = tpu.memref_slice %arg4[%add3A_171] : memref<1000000xf32, #tpu.memory_space<hbm>> -> memref<4096xf32, #tpu.memory_space<hbm>>
      tpu.enqueue_dma source(%arg12 : memref<4096xf32, #tpu.memory_space<vmem>>) target(%dma_start3A_173 : memref<4096xf32, #tpu.memory_space<hbm>>) target_semaphore(%arg21 : memref<!tpu.dma_semaphore, #tpu.memory_space<semaphore_mem>>)
      %lt3A_174 = arith.constant 1 : i32
      %lt3A_175 = arith.cmpi slt, %scan3A_79, %lt3A_174 : i32
      %convert_element_type3A_176 = arith.extui %lt3A_175 : i1 to i32
      %cond3A_177 = arith.constant 0 : i32
      %cond3A_178 = arith.cmpi ne, %convert_element_type3A_176, %cond3A_177 : i32
      scf.if %cond3A_178 {
        %add3A_179 = arith.constant 4 : i32
        %add3A_180 = arith.addi %add3A_156, %add3A_179 : i32
        %mul3A_181 = arith.constant 4096 : i32
        %mul3A_182 = arith.muli %add3A_180, %mul3A_181 : i32
        %add3A_183 = arith.addi %mul3A_44, %mul3A_182 : i32
        %dma_start3A_184 = tpu.memref_slice %arg2[%add3A_183] : memref<1000000xi32, #tpu.memory_space<hbm>> -> memref<4096xi32, #tpu.memory_space<hbm>>
        %dma_start3A_185 = tpu.memref_slice %arg2[%add3A_183] : memref<1000000xi32, #tpu.memory_space<hbm>> -> memref<4096xi32, #tpu.memory_space<hbm>>
        tpu.enqueue_dma source(%dma_start3A_185 : memref<4096xi32, #tpu.memory_space<hbm>>) target(%arg8 : memref<4096xi32, #tpu.memory_space<vmem>>) target_semaphore(%arg17 : memref<!tpu.dma_semaphore, #tpu.memory_space<semaphore_mem>>)
      } else {
      }
    }
    %scan3A_63 = arith.constant 2 : i32
    %dma_wait3A = arith.constant 0 : i32
    %dma_wait3A_64 = tpu.memref_slice %arg4[%dma_wait3A] : memref<1000000xf32, #tpu.memory_space<hbm>> -> memref<4096xf32, #tpu.memory_space<hbm>>
    %dma_wait3A_65 = arith.constant 0 : i32
    %dma_wait3A_66 = tpu.memref_slice %arg4[%dma_wait3A_65] : memref<1000000xf32, #tpu.memory_space<hbm>> -> memref<4096xf32, #tpu.memory_space<hbm>>
    tpu.wait_dma2 semaphore(%arg18 : memref<!tpu.dma_semaphore, #tpu.memory_space<semaphore_mem>>) src(%arg9 : memref<4096xf32, #tpu.memory_space<vmem>>) dst(%dma_wait3A_66 : memref<4096xf32, #tpu.memory_space<hbm>>)
    %dma_wait3A_67 = arith.constant 0 : i32
    %dma_wait3A_68 = tpu.memref_slice %arg4[%dma_wait3A_67] : memref<1000000xf32, #tpu.memory_space<hbm>> -> memref<4096xf32, #tpu.memory_space<hbm>>
    %dma_wait3A_69 = arith.constant 0 : i32
    %dma_wait3A_70 = tpu.memref_slice %arg4[%dma_wait3A_69] : memref<1000000xf32, #tpu.memory_space<hbm>> -> memref<4096xf32, #tpu.memory_space<hbm>>
    tpu.wait_dma2 semaphore(%arg19 : memref<!tpu.dma_semaphore, #tpu.memory_space<semaphore_mem>>) src(%arg10 : memref<4096xf32, #tpu.memory_space<vmem>>) dst(%dma_wait3A_70 : memref<4096xf32, #tpu.memory_space<hbm>>)
    %dma_wait3A_71 = arith.constant 0 : i32
    %dma_wait3A_72 = tpu.memref_slice %arg4[%dma_wait3A_71] : memref<1000000xf32, #tpu.memory_space<hbm>> -> memref<4096xf32, #tpu.memory_space<hbm>>
    %dma_wait3A_73 = arith.constant 0 : i32
    %dma_wait3A_74 = tpu.memref_slice %arg4[%dma_wait3A_73] : memref<1000000xf32, #tpu.memory_space<hbm>> -> memref<4096xf32, #tpu.memory_space<hbm>>
    tpu.wait_dma2 semaphore(%arg20 : memref<!tpu.dma_semaphore, #tpu.memory_space<semaphore_mem>>) src(%arg11 : memref<4096xf32, #tpu.memory_space<vmem>>) dst(%dma_wait3A_74 : memref<4096xf32, #tpu.memory_space<hbm>>)
    %dma_wait3A_75 = arith.constant 0 : i32
    %dma_wait3A_76 = tpu.memref_slice %arg4[%dma_wait3A_75] : memref<1000000xf32, #tpu.memory_space<hbm>> -> memref<4096xf32, #tpu.memory_space<hbm>>
    %dma_wait3A_77 = arith.constant 0 : i32
    %dma_wait3A_78 = tpu.memref_slice %arg4[%dma_wait3A_77] : memref<1000000xf32, #tpu.memory_space<hbm>> -> memref<4096xf32, #tpu.memory_space<hbm>>
    tpu.wait_dma2 semaphore(%arg21 : memref<!tpu.dma_semaphore, #tpu.memory_space<semaphore_mem>>) src(%arg12 : memref<4096xf32, #tpu.memory_space<vmem>>) dst(%dma_wait3A_78 : memref<4096xf32, #tpu.memory_space<hbm>>)
    return
  }
}

</mosaic_0001>

<sc_bundles>
// kernel: kernel.3.cloned.1.call-start
scs
__scs_entry_jumppad:
0x0: {  	(pc) =	sbr.rel $0x88, $3  }
0x1: {  	(tag) =	ssettag $0x0;
	lr =	simm.s32 $0x1  }
0x2: {  	[smem:$0x3F9E] =	sst lr;
	_ =	strace $0xD0000000  }
0x3: {  	_ = 	snop  }
0x4: {  	_ = 	snop  }
0x5: {  	_ = 	snop  }
0x6: {  	_ = 	snop  }
0x7: {  	_ = 	snop  }
__scs_overlays_trampoline_lowered:
0x8: {  	[smem:$0x3FAD] =	sst s0  }
0x9: {  	[smem:$0x3FAE] =	sst s1  }
0xa: {  	[smem:$0x3FAF] =	sst s2  }
0xb: {  	[smem:$0x3FB0] =	sst s3  }
0xc: {  	[smem:$0x3FB1] =	sst s4  }
0xd: {  	[smem:$0x3FB2] =	sst s5  }
0xe: {  	[smem:$0x3FB3] =	sst s6  }
0xf: {  	[smem:$0x3FB4] =	sst s7  }
0x10: {  	[smem:$0x3FB5] =	sst s8  }
0x11: {  	[smem:$0x3FB6] =	sst s9;
	s0 =	simm.s32 @!p0 $0x0  }
0x12: {  	s1 =	sld [smem:$0x3F9C];
	s0 =	simm.s32 @p0 $0x1  }
0x13: {  	[smem:$0x3FB7] =	sst s0;
	s0 =	simm.s32 @!p1 $0x0  }
0x14: {  	s2 =	sld [smem:$0x3F9B];
	s0 =	simm.s32 @p1 $0x1  }
0x15: {  	[smem:$0x3FB8] =	sst s0;
	s0 =	simm.s32 @!p2 $0x0  }
0x16: {  	s3 =	sld [smem:$0x3FDB];
	s0 =	simm.s32 @p2 $0x1  }
0x17: {  	s4 =	simm.s32 $0x1BF5;
	[smem:$0x3FBA] =	sst s0  }
0x18: {  	s0 =	sld [smem:$0x3F9D];
	_ =	swait.ge [sflag:s4], $0x0  }
0x19: {  	s7 =	sld [smem:$0x3F9E]  }
0x1a: {  	s8 =	sadd.s32 $0xFFFFE003, lr  }
0x1b: {  	s9 =	sadd.s32 $0xFFFFFEF7, lr;
	s5 =	simm.s32 $0xFFFFFFFF;
	p2 =	slt.u32 s8, $0xFFFFF086  }
0x1c: {  	p1 =	slt.u32 s9, $0xF7A;
	s5 =	simm.s32 @!p2 $0x0  }
0x1d: {  	s5 =	simm.s32 @p1 $0x1;
	p0 =	seq.s32 s7, s2  }
0x1e: {  	s7 =	smul.u32 @!p0 $0xF7A, s2;
	p2 =	seq.s32 @!p0 s5, $0x0  }
0x1f: {  	s9 =	smul.u32 $0xF7A, s1;
	s8 =	simm.s32 @!p0 $0x1BF5;
	p2 =	por !p2, p0  }
0x20: {  	[sflag:s8] =	ssyncset.s32 @!p0 $0xFFFFF086;
	s6 =	sadd.s32 @!p0 s3, s7;
	s7 =	simm.s32 @!p0 $0x108  }
0x21: {  	s3 =	sadd.s32 s3, s9;
	s6 =	sadd.s32 @!p0 $0x88, s6;
	s7 =	simm.s32 @p2 $0x1082  }
0x22: {  	[simem:s7], [sflag:s8] =	dma.local @!p0 [hbm:s6], $0xF7A  }
0x23: {  	s9 =	sor.u32 $0xD0000000, s2;
	s6 =	simm.s32 $0x108;
	_ =	swait.ge @!p0 [sflag:s8], $0x0  }
0x24: {  	s3 =	sadd.s32 $0x88, s3;
	s6 =	simm.s32 @!p1 $0x1082;
	[sflag:s4] =	ssyncset.s32 $0xFFFFF086  }
0x25: {  	[simem:s6], [sflag:s4] =	dma.local [hbm:s3], $0xF7A  }
0x26: {  	[smem:$0x3F9E] =	sst s1;
	(tag) =	ssettag s2;
	_ =	strace s9  }
0x27: {  	s1 =	sld [smem:$0x3FAE]  }
0x28: {  	s2 =	sld [smem:$0x3FAF]  }
0x29: {  	s4 =	sld [smem:$0x3FB1]  }
0x2a: {  	p0 =	seq.s32 s5, $0x0;
	s5 =	sld [smem:$0x3FB2]  }
0x2b: {  	s6 =	sld [smem:$0x3FB3]  }
0x2c: {  	s7 =	sld [smem:$0x3FB4]  }
0x2d: {  	s3 =	simm.s32 $0x108;
	s8 =	sld [smem:$0x3FB5]  }
0x2e: {  	s3 =	simm.s32 @!p0 $0x1082;
	s9 =	sld [smem:$0x3FB6]  }
0x2f: {  	lr =	sadd.s32 s0, s3;
	s0 =	sld [smem:$0x3FAD]  }
0x30: {  	s3 =	sld [smem:$0x3FB0]  }
0x31: {  	[smem:$0x3FB9] =	sst s10  }
0x32: {  	s10 =	sld [smem:$0x3FB7];
	_ =	sdelay $0x3  }
0x33: {  	p0 =	seq.s32 s10, $0x1;
	s10 =	sld [smem:$0x3FB9];
	_ =	sdelay $0x3  }
0x34: {  	[smem:$0x3FB9] =	sst s10  }
0x35: {  	s10 =	sld [smem:$0x3FB8];
	_ =	sdelay $0x3  }
0x36: {  	p1 =	seq.s32 s10, $0x1;
	s10 =	sld [smem:$0x3FB9];
	_ =	sdelay $0x3  }
0x37: {  	[smem:$0x3FB9] =	sst s10  }
0x38: {  	s10 =	sld [smem:$0x3FBA]  }
0x39: {  	_ = 	snop;
	(pc) =	sbr.ind lr, $3  }
0x3a: {  	_ = 	snop  }
0x3b: {  	_ = 	snop  }
0x3c: {  	p2 =	seq.s32 s10, $0x1;
	s10 =	sld [smem:$0x3FB9]  }
0x3d: {  	_ =	shalt  }
0x3e: {  	_ =	shalt  }
0x3f: {  	_ =	shalt  }
0x40: {  	_ =	shalt  }
0x41: {  	_ =	shalt  }
0x42: {  	_ =	shalt  }
0x43: {  	_ =	shalt  }
0x44: {  	_ =	shalt  }
0x45: {  	_ =	shalt  }
0x46: {  	_ =	shalt  }
0x47: {  	_ =	shalt  }
0x48: {  	_ =	shalt  }
0x49: {  	_ =	shalt  }
0x4a: {  	_ =	shalt  }
0x4b: {  	_ =	shalt  }
0x4c: {  	_ =	shalt  }
0x4d: {  	_ =	shalt  }
0x4e: {  	_ =	shalt  }
0x4f: {  	_ =	shalt  }
0x50: {  	_ =	shalt  }
0x51: {  	_ =	shalt  }
0x52: {  	_ =	shalt  }
0x53: {  	_ =	shalt  }
0x54: {  	_ =	shalt  }
0x55: {  	_ =	shalt  }
0x56: {  	_ =	shalt  }
0x57: {  	_ =	shalt  }
0x58: {  	_ =	shalt  }
0x59: {  	_ =	shalt  }
0x5a: {  	_ =	shalt  }
0x5b: {  	_ =	shalt  }
0x5c: {  	_ =	shalt  }
0x5d: {  	_ =	shalt  }
0x5e: {  	_ =	shalt  }
0x5f: {  	_ =	shalt  }
0x60: {  	_ =	shalt  }
0x61: {  	_ =	shalt  }
0x62: {  	_ =	shalt  }
0x63: {  	_ =	shalt  }
0x64: {  	_ =	shalt  }
0x65: {  	_ =	shalt  }
0x66: {  	_ =	shalt  }
0x67: {  	_ =	shalt  }
0x68: {  	_ =	shalt  }
0x69: {  	_ =	shalt  }
0x6a: {  	_ =	shalt  }
0x6b: {  	_ =	shalt  }
0x6c: {  	_ =	shalt  }
0x6d: {  	_ =	shalt  }
0x6e: {  	_ =	shalt  }
0x6f: {  	_ =	shalt  }
0x70: {  	_ =	shalt  }
0x71: {  	_ =	shalt  }
0x72: {  	_ =	shalt  }
0x73: {  	_ =	shalt  }
0x74: {  	_ =	shalt  }
0x75: {  	_ =	shalt  }
0x76: {  	_ =	shalt  }
0x77: {  	_ =	shalt  }
0x78: {  	_ =	shalt  }
0x79: {  	_ =	shalt  }
0x7a: {  	_ =	shalt  }
0x7b: {  	_ =	shalt  }
0x7c: {  	_ =	shalt  }
0x7d: {  	_ =	shalt  }
0x7e: {  	_ =	shalt  }
0x7f: {  	_ =	shalt  }
0x80: {  	_ =	shalt  }
0x81: {  	_ =	shalt  }
0x82: {  	_ =	shalt  }
0x83: {  	_ =	shalt  }
0x84: {  	_ =	shalt  }
0x85: {  	_ =	shalt  }
0x86: {  	_ =	shalt  }
0x87: {  	_ =	shalt  }
.Lfunc_end0:
.L_simem_size_0:
called_computation_lowered:
.L_overlay_start_0:
0x88: {  	s2 =	sld [smem:$0x3FD9]  }
0x89: {  	s3 =	sld [smem:$0x3FFE];
	_ =	sdelay $0x1  }
0x8a: {  	s1 =	srdreg.scid  }
0x8b: {  	s0 =	sand.u32 $0x1, s1  }
0x8c: {  	s17 =	sshll.u32 s0, $0xA;
	s2 =	sadd.s32 s3, s2  }
0x8d: {  	s2 =	sadd.s32 s2, s17  }
0x8e: {  	[smem:$0x3FC5] =	sst s2  }
0x8f: {  	_ = 	snop  }
0x90: {  	s2 =	sld [smem:$0x3FC8]  }
0x91: {  	s18 =	sld [smem:$0x3FC7];
	(tm) =	ssettm $0x1  }
0x92: {  	s4 =	sld [smem:$0x3FFB];
	_ =	sdelay $0x3  }
0x93: {  	_ =	strace s4  }
0x94: {  	s4 =	sld [smem:$0x3FFC];
	_ =	sdelay $0x3  }
0x95: {  	_ =	strace s4  }
0x96: {  	s4 =	sld [smem:$0x3FFD];
	_ =	sdelay $0x3  }
0x97: {  	_ =	strace s4  }
0x98: {  	_ =	strace $0x8FFFFFFF  }
0x99: {  	s19 =	sld [smem:$0x3FDB];
	_ =	sdelay $0x1  }
0x9a: {  	s5 =	simm.s32 $_scs_section_size  }
0x9b: {  	s6 =	simm.s32 $_size__tile_overlayer_lowered;
	s7 =	simm.s32 $_tile_overlayer_lowered  }
0x9c: {  	s22 =	simm.s32 $0x1BFF;
	s21 =	sshll.u32 s7, $0x1;
	s4 =	sadd.s32 s5, s19  }
0x9d: {  	s8 =	simm.s32 $0x0;
	s20 =	sshll.u32 s6, $0x1;
	s6 =	sadd.s32 s21, s4  }
0x9e: {  	[timem:s8], [sflag:s22] =	dma.local [hbm:s6], s20  }
0x9f: {  	_ =	swait.ge [sflag:s22], s20  }
0xa0: {  	s5 =	ssub.s32 $0x0, s20;
	[sflag:s22] =	ssyncset.done $0x0  }
0xa1: {  	[sflag:s22] =	ssyncadd.s32 s5;
	_ =	sdelay $0x1  }
0xa2: {  	s23 =	simm.s32 $0x1B8B  }
0xa3: {  	_ =	swait.ge [sflag:s23], $0x1  }
0xa4: {  	[sflag:s23] =	ssyncset.done $0x0  }
0xa5: {  	s25 =	simm.s32 $0x1B8E;
	s24 =	sld [smem:$0x3FFE];
	[sflag:s23] =	ssyncadd.s32 $0xFFFFFFFF  }
0xa6: {  	s26 =	simm.s32 $execute0_lowered;
	[smem:$0x3FD2] =	sst s25  }
0xa7: {  	s6 =	sshll.u32 s26, $0x1;
	_ =	strace $0x80000046;
	[dreg:$0x1] =	wrdreg $0xFFFFFFFF  }
0xa8: {  	s28 =	simm.s32 $_size_execute0_lowered;
	s4 =	sadd.s32 s4, s6;
	[dreg:$0x0] =	wrdreg $0x0  }
0xa9: {  	s6 =	sshll.u32 s28, $0x1;
	[dreg:$0x2] =	wrdreg s4  }
0xaa: {  	[dreg:$0x3] =	wrdreg s6  }
0xab: {  	[dreg:$0x4] =	wrdreg $0xC0  }
0xac: {  	_ =	task [dreg:s8], $0x5FFFF  }
0xad: {  	[dreg:$0x1] =	wrdreg $0xFFFFFFFF  }
0xae: {  	[dreg:$0x0] =	wrdreg $0x60  }
0xaf: {  	[dreg:$0x2] =	wrdreg s2  }
0xb0: {  	[dreg:$0x3] =	wrdreg s18  }
0xb1: {  	[dreg:$0x4] =	wrdreg s24  }
0xb2: {  	[dreg:$0x5] =	wrdreg $0x9  }
0xb3: {  	_ =	task.clear_ibuf [dreg:s8], $0x6FFFF;
	_ =	strace $0x90000046  }
0xb4: {  	s29 =	simm.s32 $0x9;
	_ =	strace $0x80000048  }
0xb5: {  	_ =	swait.ge [sflag:s29], $0x1  }
0xb6: {  	[sflag:s29] =	ssyncadd.s32 $0xFFFFFFFF  }
0xb7: {  	_ =	strace $0x90000048  }
0xb8: {  	_ =	sfence  }
0xb9: {  	s30 =	sld [smem:$0x0];
	_ =	sdelay $0x2  }
0xba: {  	s31 =	sshll.u32 s1, $0xD;
	s1 =	sshrl.u32 s1, $0x2  }
0xbb: {  	s3 =	sand.u32 $0x4000, s31;
	s1 =	sadd.s32 s1, s30  }
0xbc: {  	s0 =	sor.u32 s3, s0;
	s1 =	sshll.u32 s1, $0x11  }
0xbd: {  	s0 =	sor.u32 s1, s0  }
0xbe: {  	s0 =	sadd.s32 $0x8F2B, s0  }
0xbf: {  	[sflag:s0] =	ssyncadd.remote.s32 $0x1  }
0xc0: {  	_ =	sfence.sel $0xFFFF  }
0xc1: {  	[dreg:$0x0] =	wrdreg $0xFFFFFFFF;
	(pc) =	sbr.abs _section_cstart, $3  }
0xc2: {  	[dreg:$0x1] =	wrdreg $0xFFFFFFFF  }
0xc3: {  	_ =	task.clear_ibuf [dreg:s8], $0x2FFFF;
	_ =	strace $0x9FFFFFFF  }
0xc4: {  	(tm) =	ssettm $0x7FFFFFFF  }
0xc5: {  	_ =	shalt  }
tec
execute0_lowered:
.L_overlay_start_1:
0x0: {  	(tag) =	ssettag $0x1  }
0x1: {  	s0 =	srdreg.scid;
	s1 =	stileid.u32  }
0x2: {  	s0 =	sand.u32 $0x1, s0;
	s1 =	sshll.u32 s1, $0x1  }
0x3: {  	s1 =	sor.u32 s0, s1  }
0x4: {  	s2 =	rddreg [dreg:$0x0];
	s3 =	smul.u32 $0xEC240, s1  }
0x5: {  	s5 =	rddreg [dreg:$0x2];
	s7 =	simm.s32 $0x1  }
0x6: {  	s28 =	simm.s32 $0x7000;
	s29 =	simm.s32 $0x5;
	s4 =	smulhi.u32 $0x8421085, s3  }
0x7: {  	s30 =	simm.s32 $0x6;
	s31 =	simm.s32 $0x7;
	s0 =	ssub.s32 $0x2, s0  }
0x8: {  	s5 =	sadd.s32 $0x600, s5;
	s20 =	sshrl.u32 s0, $0x1;
	s4 =	sand.u32 $0x7, s4  }
0x9: {  	p0 =	seq.s32 s1, $0x0;
	s0 =	ssub.s32 s0, s20;
	p1 =	sne.s32 s4, $0x0  }
0xa: {  	s20 =	simm.s32 $0x9;
	s19 =	smulhi.u32 $0x1084211, s3;
	p0 =	por !p0, !p1  }
0xb: {  	s3 =	simm.s32 $0x1;
	s4 =	simm.s32 $0x0;
	p0 =	por !p0, !p0  }
0xc: {  	s18 =	smax.u32 s0, $0x1;
	[smem:$0x7FF] =	sst s4;
	s3 =	simm.s32 @!p0 $0x0  }
0xd: {  	s0 =	simm.s32 $0x0;
	_ =	strace $0x80000047;
	s1 =	ssub.s32 s19, s3  }
0xe: {  	s19 =	simm.s32 $0x8000;
	s6 =	sshll.u32 s1, $0x3;
	s1 =	sand.u32 $0x1FFFFFFF, s1  }
0xf: {  	s8 =	sadd.s32 $0x1000, s6;
	s9 =	sadd.s32 $0x2000, s6;
	s1 =	sadd.s32 s2, s1  }
0x10: {  	s13 =	sadd.s32 $0x3000, s6;
	s23 =	sadd.s32 $0x4000, s6;
	s24 =	sadd.s32 $0x5000, s6  }
0x11: {  	s10 =	sadd.s32 $0x6000, s6;
	s17 =	sadd.s32 $0x7000, s6;
	s21 =	sshrl.u32 s8, $0x3  }
0x12: {  	[dreg:$0x4] =	wrdreg s1;
	s22 =	sshrl.u32 s9, $0x3;
	s1 =	sshrl.u32 s23, $0x3  }
0x13: {  	s25 =	sshrl.u32 s24, $0x3;
	s26 =	sshrl.u32 s10, $0x3;
	s23 =	simm.s32 $0x3000  }
0x14: {  	s24 =	simm.s32 $0x4000;
	s11 =	sadd.s32 s2, s21;
	s12 =	sadd.s32 s2, s22  }
0x15: {  	s14 =	sadd.s32 s2, s1;
	s15 =	sadd.s32 s2, s25;
	s16 =	sadd.s32 s2, s26  }
0x16: {  	s25 =	simm.s32 $0x5000;
	s26 =	simm.s32 $0x6000;
	s1 =	simm.s32 $0x8  }
.LBB2_1:
0x17: {  	s3 =	rddreg [dreg:$0x1]  }
0x18: {  	[tilespmem:s19], [sflag:$0x9] =	stream.linear.gather [hbm4b:s3+s4], $0x80, $0x38;
	[tilespmem:$0x8080] =	vst v63  }
0x19: {  	_ =	swait.ge [sflag:s20], $0x80  }
0x1a: {  	[sflag:s20] =	ssyncset.done $0x0  }
0x1b: {  	s10 =	rddreg [dreg:$0x4];
	[sflag:s20] =	ssyncadd.s32 $0xFFFFFF80  }
0x1c: {  	[tilespmem:s4], [sflag:$0x1] =	stream.linear.gather [hbm4b:s10+s4], $0x1000, $0x38;
	[tilespmem:$0x8080] =	vst v63  }
0x1d: {  	s21 =	simm.s32 $0x1000;
	s22 =	simm.s32 $0x2000  }
0x1e: {  	[tilespmem:s21], [sflag:$0x2] =	stream.linear.gather [hbm4b:s11+s4], $0x1000, $0x38;
	[tilespmem:$0x8080] =	vst v63  }
0x1f: {  	p1 =	por $0x0, $0x0;
	s3 =	simm.s32 $0x0;
	s10 =	smov.u32 s13  }
0x20: {  	[tilespmem:s22], [sflag:$0x3] =	stream.linear.gather [hbm4b:s12+s4], $0x1000, $0x38;
	[tilespmem:$0x8080] =	vst v63  }
.LBB2_2:
0x21: {  	s10 =	sshrl.u32 s10, $0x3  }
0x22: {  	s10 =	sadd.s32 s2, s10  }
0x23: {  	[tilespmem:s23], [sflag:$0x4] =	stream.linear.gather [hbm4b:s10+s4], $0x1000, $0x38;
	[tilespmem:$0x8080] =	vst v63  }
0x24: {  	_ =	swait.ge [sflag:s7], $0x1000  }
0x25: {  	[sflag:s7] =	ssyncset.done $0x0  }
0x26: {  	s10 =	simm.s32 @p1 $0x5;
	[sflag:s7] =	ssyncadd.s32 $0xFFFFF000  }
0x27: {  	_ =	swait.ge @p1 [sflag:s10], $0x1000  }
0x28: {  	[sflag:s10] =	ssyncset.done @p1 $0x0  }
0x29: {  	s22 =	simm.s32 $0x80;
	[sflag:s10] =	ssyncadd.s32 @p1 $0xFFFFF000  }
0x2a: {  	v0 =	vld [tilespmem:s22+$0x70]  }
0x2b: {  	v1 =	vld [tilespmem:s22+$0xFFFFFF90]  }
0x2c: {  	v2 =	vld [tilespmem:s22+$0xFFFFFFA0]  }
0x2d: {  	v3 =	vld [tilespmem:s22+$0xFFFFFFB0]  }
0x2e: {  	v4 =	vld [tilespmem:s22+$0xFFFFFFC0]  }
0x2f: {  	v5 =	vld [tilespmem:s22+$0xFFFFFFD0]  }
0x30: {  	v6 =	vld [tilespmem:s22+$0xFFFFFFE0]  }
0x31: {  	v7 =	vld [tilespmem:s22+$0xFFFFFFF0]  }
0x32: {  	v8 =	vld [tilespmem:s22+$0x0]  }
0x33: {  	v9 =	vld [tilespmem:s22+$0x10]  }
0x34: {  	v10 =	vld [tilespmem:s22+$0x20]  }
0x35: {  	v11 =	vld [tilespmem:s22+$0x30]  }
0x36: {  	v12 =	vld [tilespmem:s22+$0x40]  }
0x37: {  	v13 =	vld [tilespmem:s22+$0x50]  }
0x38: {  	v14 =	vld [tilespmem:s22+$0x60]  }
0x39: {  	v15 =	vld [tilespmem:s22+$0xFFFFFF80]  }
0x3a: {  	v0 =	vld.idx.msk [tilespmem:v0+s19+$0x0], $0xffff  }
0x3b: {  	v1 =	vld.idx.msk [tilespmem:v1+s19+$0x0], $0xffff  }
0x3c: {  	v2 =	vld.idx.msk [tilespmem:v2+s19+$0x0], $0xffff  }
0x3d: {  	v3 =	vld.idx.msk [tilespmem:v3+s19+$0x0], $0xffff  }
0x3e: {  	v4 =	vld.idx.msk [tilespmem:v4+s19+$0x0], $0xffff  }
0x3f: {  	s21 =	simm.s32 $0x4080;
	v5 =	vld.idx.msk [tilespmem:v5+s19+$0x0], $0xffff  }
0x40: {  	v6 =	vld.idx.msk [tilespmem:v6+s19+$0x0], $0xffff;
	[tilespmem:s21+$0x70] =	vst v0  }
0x41: {  	v7 =	vld.idx.msk [tilespmem:v7+s19+$0x0], $0xffff;
	[tilespmem:s21+$0xFFFFFF90] =	vst v1  }
0x42: {  	v15 =	vld.idx.msk [tilespmem:v15+s19+$0x0], $0xffff;
	[tilespmem:s21+$0xFFFFFFA0] =	vst v2  }
0x43: {  	v8 =	vld.idx.msk [tilespmem:v8+s19+$0x0], $0xffff;
	[tilespmem:s21+$0xFFFFFFB0] =	vst v3  }
0x44: {  	[tilespmem:s21+$0xFFFFFFC0] =	vst v4;
	v0 =	vld.idx.msk [tilespmem:v9+s19+$0x0], $0xffff  }
0x45: {  	[tilespmem:s21+$0xFFFFFFD0] =	vst v5;
	v1 =	vld.idx.msk [tilespmem:v10+s19+$0x0], $0xffff  }
0x46: {  	[tilespmem:s21+$0xFFFFFFE0] =	vst v6;
	v2 =	vld.idx.msk [tilespmem:v11+s19+$0x0], $0xffff  }
0x47: {  	[tilespmem:s21+$0xFFFFFFF0] =	vst v7;
	v3 =	vld.idx.msk [tilespmem:v12+s19+$0x0], $0xffff  }
0x48: {  	[tilespmem:s21+$0xFFFFFF80] =	vst v15;
	v4 =	vld.idx.msk [tilespmem:v13+s19+$0x0], $0xffff  }
0x49: {  	p0 =	por p1, p1;
	s10 =	simm.s32 $0x180;
	s22 =	simm.s32 $0x0;
	[tilespmem:s21+$0x0] =	vst v8;
	v5 =	vld.idx.msk [tilespmem:v14+s19+$0x0], $0xffff  }
.LBB2_3:
0x4a: {  	v6 =	vld [tilespmem:s10+$0x70];
	s22 =	sadd.s32 $0x100, s22;
	[tilespmem:s21+$0x10] =	vst v0  }
0x4b: {  	v0 =	vld [tilespmem:s10+$0xFFFFFF90];
	p1 =	slt.u32 s22, $0xF00;
	[tilespmem:s21+$0x20] =	vst v1  }
0x4c: {  	v1 =	vld [tilespmem:s10+$0xFFFFFFA0];
	[tilespmem:s21+$0x30] =	vst v2  }
0x4d: {  	v2 =	vld [tilespmem:s10+$0xFFFFFFB0];
	[tilespmem:s21+$0x40] =	vst v3  }
0x4e: {  	v3 =	vld [tilespmem:s10+$0xFFFFFFC0];
	[tilespmem:s21+$0x50] =	vst v4  }
0x4f: {  	v4 =	vld [tilespmem:s10+$0xFFFFFFD0];
	[tilespmem:s21+$0x60] =	vst v5  }
0x50: {  	v5 =	vld [tilespmem:s10+$0xFFFFFFE0]  }
0x51: {  	v7 =	vld [tilespmem:s10+$0xFFFFFFF0]  }
0x52: {  	v6 =	vld.idx.msk [tilespmem:v6+s19+$0x0], $0xffff  }
0x53: {  	v8 =	vld [tilespmem:s10+$0x0]  }
0x54: {  	v9 =	vld [tilespmem:s10+$0x10]  }
0x55: {  	v10 =	vld [tilespmem:s10+$0x20]  }
0x56: {  	v11 =	vld [tilespmem:s10+$0x30]  }
0x57: {  	s21 =	sadd.s32 $0x100, s21;
	v12 =	vld [tilespmem:s10+$0x40]  }
0x58: {  	v13 =	vld [tilespmem:s10+$0x50];
	[tilespmem:s21+$0x70] =	vst v6  }
0x59: {  	v6 =	vld [tilespmem:s10+$0x60]  }
0x5a: {  	v14 =	vld [tilespmem:s10+$0xFFFFFF80]  }
0x5b: {  	v0 =	vld.idx.msk [tilespmem:v0+s19+$0x0], $0xffff  }
0x5c: {  	v1 =	vld.idx.msk [tilespmem:v1+s19+$0x0], $0xffff  }
0x5d: {  	v2 =	vld.idx.msk [tilespmem:v2+s19+$0x0], $0xffff  }
0x5e: {  	v3 =	vld.idx.msk [tilespmem:v3+s19+$0x0], $0xffff  }
0x5f: {  	v4 =	vld.idx.msk [tilespmem:v4+s19+$0x0], $0xffff  }
0x60: {  	v5 =	vld.idx.msk [tilespmem:v5+s19+$0x0], $0xffff  }
0x61: {  	[tilespmem:s21+$0xFFFFFF90] =	vst v0;
	v7 =	vld.idx.msk [tilespmem:v7+s19+$0x0], $0xffff  }
0x62: {  	v14 =	vld.idx.msk [tilespmem:v14+s19+$0x0], $0xffff;
	[tilespmem:s21+$0xFFFFFFA0] =	vst v1  }
0x63: {  	[tilespmem:s21+$0xFFFFFFB0] =	vst v2;
	v8 =	vld.idx.msk [tilespmem:v8+s19+$0x0], $0xffff  }
0x64: {  	[tilespmem:s21+$0xFFFFFFC0] =	vst v3;
	v0 =	vld.idx.msk [tilespmem:v9+s19+$0x0], $0xffff  }
.Ltmp0:
0x65: {  	[tilespmem:s21+$0xFFFFFFD0] =	vst v4;
	v1 =	vld.idx.msk [tilespmem:v10+s19+$0x0], $0xffff;
	(pc) =	sbr.rel @p1 .LBB2_3-.Ltmp0, $4  }
0x66: {  	[tilespmem:s21+$0xFFFFFFE0] =	vst v5;
	v2 =	vld.idx.msk [tilespmem:v11+s19+$0x0], $0xffff  }
0x67: {  	[tilespmem:s21+$0xFFFFFFF0] =	vst v7;
	v3 =	vld.idx.msk [tilespmem:v12+s19+$0x0], $0xffff  }
0x68: {  	[tilespmem:s21+$0xFFFFFF80] =	vst v14;
	v4 =	vld.idx.msk [tilespmem:v13+s19+$0x0], $0xffff  }
0x69: {  	s10 =	sadd.s32 $0x100, s10;
	[tilespmem:s21+$0x0] =	vst v8;
	v5 =	vld.idx.msk [tilespmem:v6+s19+$0x0], $0xffff  }
0x6a: {  	[tilespmem:s21+$0x10] =	vst v0  }
0x6b: {  	[tilespmem:s21+$0x20] =	vst v1  }
0x6c: {  	[tilespmem:s21+$0x30] =	vst v2  }
0x6d: {  	s10 =	sadd.s32 s6, s3;
	[tilespmem:s21+$0x40] =	vst v3  }
0x6e: {  	s10 =	sshrl.u32 s10, $0x3;
	[tilespmem:s21+$0x50] =	vst v4  }
0x6f: {  	s10 =	sadd.s32 s5, s10;
	[tilespmem:s21+$0x60] =	vst v5  }
0x70: {  	[hbm4b:s10+s4] =	stream.linear.scatter [tilespmem:s24], [sflag:$0x5], $0x1000, $0x38;
	[tilespmem:$0x8080] =	vst v63  }
0x71: {  	s10 =	simm.s32 @p0 $0x2  }
0x72: {  	_ =	swait.ge @p0 [sflag:s10], $0x1000  }
0x73: {  	[sflag:s10] =	ssyncset.done @p0 $0x0  }
0x74: {  	[sflag:s10] =	ssyncadd.s32 @p0 $0xFFFFF000;
	s10 =	simm.s32 @!p0 $0x0  }
0x75: {  	[tilespmem:s10], [sflag:$0x1] =	stream.linear.gather @!p0 [hbm4b:s14+s10], $0x1000, $0x38;
	[tilespmem:$0x8080] =	vst v63  }
0x76: {  	s10 =	simm.s32 @!p0 $0x2  }
0x77: {  	s10 =	simm.s32 @p0 $0x6  }
0x78: {  	_ =	swait.ge [sflag:s10], $0x1000  }
0x79: {  	[sflag:s10] =	ssyncset.done $0x0  }
0x7a: {  	s22 =	simm.s32 $0x1080;
	[sflag:s10] =	ssyncadd.s32 $0xFFFFF000  }
0x7b: {  	v0 =	vld [tilespmem:s22+$0x70]  }
0x7c: {  	v1 =	vld [tilespmem:s22+$0xFFFFFF90]  }
0x7d: {  	v2 =	vld [tilespmem:s22+$0xFFFFFFA0]  }
0x7e: {  	v3 =	vld [tilespmem:s22+$0xFFFFFFB0]  }
0x7f: {  	v4 =	vld [tilespmem:s22+$0xFFFFFFC0]  }
0x80: {  	v5 =	vld [tilespmem:s22+$0xFFFFFFD0]  }
0x81: {  	v6 =	vld [tilespmem:s22+$0xFFFFFFE0]  }
0x82: {  	v7 =	vld [tilespmem:s22+$0xFFFFFFF0]  }
0x83: {  	v8 =	vld [tilespmem:s22+$0x0]  }
0x84: {  	v9 =	vld [tilespmem:s22+$0x10]  }
0x85: {  	v10 =	vld [tilespmem:s22+$0x20]  }
0x86: {  	v11 =	vld [tilespmem:s22+$0x30]  }
0x87: {  	v12 =	vld [tilespmem:s22+$0x40]  }
0x88: {  	v13 =	vld [tilespmem:s22+$0x50]  }
0x89: {  	v14 =	vld [tilespmem:s22+$0x60]  }
0x8a: {  	v15 =	vld [tilespmem:s22+$0xFFFFFF80]  }
0x8b: {  	v0 =	vld.idx.msk [tilespmem:v0+s19+$0x0], $0xffff  }
0x8c: {  	v1 =	vld.idx.msk [tilespmem:v1+s19+$0x0], $0xffff  }
0x8d: {  	v2 =	vld.idx.msk [tilespmem:v2+s19+$0x0], $0xffff  }
0x8e: {  	v3 =	vld.idx.msk [tilespmem:v3+s19+$0x0], $0xffff  }
0x8f: {  	v4 =	vld.idx.msk [tilespmem:v4+s19+$0x0], $0xffff  }
0x90: {  	s21 =	simm.s32 $0x5080;
	v5 =	vld.idx.msk [tilespmem:v5+s19+$0x0], $0xffff  }
0x91: {  	v6 =	vld.idx.msk [tilespmem:v6+s19+$0x0], $0xffff;
	[tilespmem:s21+$0x70] =	vst v0  }
0x92: {  	v7 =	vld.idx.msk [tilespmem:v7+s19+$0x0], $0xffff;
	[tilespmem:s21+$0xFFFFFF90] =	vst v1  }
0x93: {  	v15 =	vld.idx.msk [tilespmem:v15+s19+$0x0], $0xffff;
	[tilespmem:s21+$0xFFFFFFA0] =	vst v2  }
0x94: {  	v8 =	vld.idx.msk [tilespmem:v8+s19+$0x0], $0xffff;
	[tilespmem:s21+$0xFFFFFFB0] =	vst v3  }
0x95: {  	[tilespmem:s21+$0xFFFFFFC0] =	vst v4;
	v0 =	vld.idx.msk [tilespmem:v9+s19+$0x0], $0xffff  }
0x96: {  	[tilespmem:s21+$0xFFFFFFD0] =	vst v5;
	v1 =	vld.idx.msk [tilespmem:v10+s19+$0x0], $0xffff  }
0x97: {  	[tilespmem:s21+$0xFFFFFFE0] =	vst v6;
	v2 =	vld.idx.msk [tilespmem:v11+s19+$0x0], $0xffff  }
0x98: {  	[tilespmem:s21+$0xFFFFFFF0] =	vst v7;
	v3 =	vld.idx.msk [tilespmem:v12+s19+$0x0], $0xffff  }
0x99: {  	[tilespmem:s21+$0xFFFFFF80] =	vst v15;
	v4 =	vld.idx.msk [tilespmem:v13+s19+$0x0], $0xffff  }
0x9a: {  	s10 =	simm.s32 $0x1180;
	s22 =	simm.s32 $0x0;
	[tilespmem:s21+$0x0] =	vst v8;
	v5 =	vld.idx.msk [tilespmem:v14+s19+$0x0], $0xffff  }
.LBB2_5:
0x9b: {  	v6 =	vld [tilespmem:s10+$0x70];
	s22 =	sadd.s32 $0x100, s22;
	[tilespmem:s21+$0x10] =	vst v0  }
0x9c: {  	v0 =	vld [tilespmem:s10+$0xFFFFFF90];
	p1 =	slt.u32 s22, $0xF00;
	[tilespmem:s21+$0x20] =	vst v1  }
0x9d: {  	v1 =	vld [tilespmem:s10+$0xFFFFFFA0];
	[tilespmem:s21+$0x30] =	vst v2  }
0x9e: {  	v2 =	vld [tilespmem:s10+$0xFFFFFFB0];
	[tilespmem:s21+$0x40] =	vst v3  }
0x9f: {  	v3 =	vld [tilespmem:s10+$0xFFFFFFC0];
	[tilespmem:s21+$0x50] =	vst v4  }
0xa0: {  	v4 =	vld [tilespmem:s10+$0xFFFFFFD0];
	[tilespmem:s21+$0x60] =	vst v5  }
0xa1: {  	v5 =	vld [tilespmem:s10+$0xFFFFFFE0]  }
0xa2: {  	v7 =	vld [tilespmem:s10+$0xFFFFFFF0]  }
0xa3: {  	v6 =	vld.idx.msk [tilespmem:v6+s19+$0x0], $0xffff  }
0xa4: {  	v8 =	vld [tilespmem:s10+$0x0]  }
0xa5: {  	v9 =	vld [tilespmem:s10+$0x10]  }
0xa6: {  	v10 =	vld [tilespmem:s10+$0x20]  }
0xa7: {  	v11 =	vld [tilespmem:s10+$0x30]  }
0xa8: {  	s21 =	sadd.s32 $0x100, s21;
	v12 =	vld [tilespmem:s10+$0x40]  }
0xa9: {  	v13 =	vld [tilespmem:s10+$0x50];
	[tilespmem:s21+$0x70] =	vst v6  }
0xaa: {  	v6 =	vld [tilespmem:s10+$0x60]  }
0xab: {  	v14 =	vld [tilespmem:s10+$0xFFFFFF80]  }
0xac: {  	v0 =	vld.idx.msk [tilespmem:v0+s19+$0x0], $0xffff  }
0xad: {  	v1 =	vld.idx.msk [tilespmem:v1+s19+$0x0], $0xffff  }
0xae: {  	v2 =	vld.idx.msk [tilespmem:v2+s19+$0x0], $0xffff  }
0xaf: {  	v3 =	vld.idx.msk [tilespmem:v3+s19+$0x0], $0xffff  }
0xb0: {  	v4 =	vld.idx.msk [tilespmem:v4+s19+$0x0], $0xffff  }
0xb1: {  	v5 =	vld.idx.msk [tilespmem:v5+s19+$0x0], $0xffff  }
0xb2: {  	[tilespmem:s21+$0xFFFFFF90] =	vst v0;
	v7 =	vld.idx.msk [tilespmem:v7+s19+$0x0], $0xffff  }
0xb3: {  	v14 =	vld.idx.msk [tilespmem:v14+s19+$0x0], $0xffff;
	[tilespmem:s21+$0xFFFFFFA0] =	vst v1  }
0xb4: {  	[tilespmem:s21+$0xFFFFFFB0] =	vst v2;
	v8 =	vld.idx.msk [tilespmem:v8+s19+$0x0], $0xffff  }
0xb5: {  	[tilespmem:s21+$0xFFFFFFC0] =	vst v3;
	v0 =	vld.idx.msk [tilespmem:v9+s19+$0x0], $0xffff  }
.Ltmp1:
0xb6: {  	[tilespmem:s21+$0xFFFFFFD0] =	vst v4;
	v1 =	vld.idx.msk [tilespmem:v10+s19+$0x0], $0xffff;
	(pc) =	sbr.rel @p1 .LBB2_5-.Ltmp1, $4  }
0xb7: {  	[tilespmem:s21+$0xFFFFFFE0] =	vst v5;
	v2 =	vld.idx.msk [tilespmem:v11+s19+$0x0], $0xffff  }
0xb8: {  	[tilespmem:s21+$0xFFFFFFF0] =	vst v7;
	v3 =	vld.idx.msk [tilespmem:v12+s19+$0x0], $0xffff  }
0xb9: {  	[tilespmem:s21+$0xFFFFFF80] =	vst v14;
	v4 =	vld.idx.msk [tilespmem:v13+s19+$0x0], $0xffff  }
0xba: {  	s10 =	sadd.s32 $0x100, s10;
	[tilespmem:s21+$0x0] =	vst v8;
	v5 =	vld.idx.msk [tilespmem:v6+s19+$0x0], $0xffff  }
0xbb: {  	[tilespmem:s21+$0x10] =	vst v0  }
0xbc: {  	[tilespmem:s21+$0x20] =	vst v1  }
0xbd: {  	[tilespmem:s21+$0x30] =	vst v2  }
0xbe: {  	s10 =	sadd.s32 s3, s8;
	[tilespmem:s21+$0x40] =	vst v3  }
0xbf: {  	s10 =	sshrl.u32 s10, $0x3;
	[tilespmem:s21+$0x50] =	vst v4  }
0xc0: {  	s10 =	sadd.s32 s5, s10;
	[tilespmem:s21+$0x60] =	vst v5  }
0xc1: {  	[hbm4b:s10+s4] =	stream.linear.scatter [tilespmem:s25], [sflag:$0x6], $0x1000, $0x38;
	[tilespmem:$0x8080] =	vst v63  }
0xc2: {  	s10 =	simm.s32 @p0 $0x3  }
0xc3: {  	_ =	swait.ge @p0 [sflag:s10], $0x1000  }
0xc4: {  	[sflag:s10] =	ssyncset.done @p0 $0x0  }
0xc5: {  	s21 =	simm.s32 @!p0 $0x1000;
	[sflag:s10] =	ssyncadd.s32 @p0 $0xFFFFF000;
	s10 =	simm.s32 @!p0 $0x0  }
0xc6: {  	[tilespmem:s21], [sflag:$0x2] =	stream.linear.gather @!p0 [hbm4b:s15+s10], $0x1000, $0x38;
	[tilespmem:$0x8080] =	vst v63  }
0xc7: {  	s10 =	simm.s32 @!p0 $0x3  }
0xc8: {  	s10 =	simm.s32 @p0 $0x7  }
0xc9: {  	_ =	swait.ge [sflag:s10], $0x1000  }
0xca: {  	[sflag:s10] =	ssyncset.done $0x0  }
0xcb: {  	s22 =	simm.s32 $0x2080;
	[sflag:s10] =	ssyncadd.s32 $0xFFFFF000  }
0xcc: {  	v0 =	vld [tilespmem:s22+$0x70]  }
0xcd: {  	v1 =	vld [tilespmem:s22+$0xFFFFFF90]  }
0xce: {  	v2 =	vld [tilespmem:s22+$0xFFFFFFA0]  }
0xcf: {  	v3 =	vld [tilespmem:s22+$0xFFFFFFB0]  }
0xd0: {  	v4 =	vld [tilespmem:s22+$0xFFFFFFC0]  }
0xd1: {  	v5 =	vld [tilespmem:s22+$0xFFFFFFD0]  }
0xd2: {  	v6 =	vld [tilespmem:s22+$0xFFFFFFE0]  }
0xd3: {  	v7 =	vld [tilespmem:s22+$0xFFFFFFF0]  }
0xd4: {  	v8 =	vld [tilespmem:s22+$0x0]  }
0xd5: {  	v9 =	vld [tilespmem:s22+$0x10]  }
0xd6: {  	v10 =	vld [tilespmem:s22+$0x20]  }
0xd7: {  	v11 =	vld [tilespmem:s22+$0x30]  }
0xd8: {  	v12 =	vld [tilespmem:s22+$0x40]  }
0xd9: {  	v13 =	vld [tilespmem:s22+$0x50]  }
0xda: {  	v14 =	vld [tilespmem:s22+$0x60]  }
0xdb: {  	v15 =	vld [tilespmem:s22+$0xFFFFFF80]  }
0xdc: {  	v0 =	vld.idx.msk [tilespmem:v0+s19+$0x0], $0xffff  }
0xdd: {  	v1 =	vld.idx.msk [tilespmem:v1+s19+$0x0], $0xffff  }
0xde: {  	v2 =	vld.idx.msk [tilespmem:v2+s19+$0x0], $0xffff  }
0xdf: {  	v3 =	vld.idx.msk [tilespmem:v3+s19+$0x0], $0xffff  }
0xe0: {  	v4 =	vld.idx.msk [tilespmem:v4+s19+$0x0], $0xffff  }
0xe1: {  	s21 =	simm.s32 $0x6080;
	v5 =	vld.idx.msk [tilespmem:v5+s19+$0x0], $0xffff  }
0xe2: {  	v6 =	vld.idx.msk [tilespmem:v6+s19+$0x0], $0xffff;
	[tilespmem:s21+$0x70] =	vst v0  }
0xe3: {  	v7 =	vld.idx.msk [tilespmem:v7+s19+$0x0], $0xffff;
	[tilespmem:s21+$0xFFFFFF90] =	vst v1  }
0xe4: {  	v15 =	vld.idx.msk [tilespmem:v15+s19+$0x0], $0xffff;
	[tilespmem:s21+$0xFFFFFFA0] =	vst v2  }
0xe5: {  	v8 =	vld.idx.msk [tilespmem:v8+s19+$0x0], $0xffff;
	[tilespmem:s21+$0xFFFFFFB0] =	vst v3  }
0xe6: {  	[tilespmem:s21+$0xFFFFFFC0] =	vst v4;
	v0 =	vld.idx.msk [tilespmem:v9+s19+$0x0], $0xffff  }
0xe7: {  	[tilespmem:s21+$0xFFFFFFD0] =	vst v5;
	v1 =	vld.idx.msk [tilespmem:v10+s19+$0x0], $0xffff  }
0xe8: {  	[tilespmem:s21+$0xFFFFFFE0] =	vst v6;
	v2 =	vld.idx.msk [tilespmem:v11+s19+$0x0], $0xffff  }
0xe9: {  	[tilespmem:s21+$0xFFFFFFF0] =	vst v7;
	v3 =	vld.idx.msk [tilespmem:v12+s19+$0x0], $0xffff  }
0xea: {  	[tilespmem:s21+$0xFFFFFF80] =	vst v15;
	v4 =	vld.idx.msk [tilespmem:v13+s19+$0x0], $0xffff  }
0xeb: {  	s10 =	simm.s32 $0x2180;
	s22 =	simm.s32 $0x0;
	[tilespmem:s21+$0x0] =	vst v8;
	v5 =	vld.idx.msk [tilespmem:v14+s19+$0x0], $0xffff  }
.LBB2_7:
0xec: {  	v6 =	vld [tilespmem:s10+$0x70];
	s22 =	sadd.s32 $0x100, s22;
	[tilespmem:s21+$0x10] =	vst v0  }
0xed: {  	v0 =	vld [tilespmem:s10+$0xFFFFFF90];
	p1 =	slt.u32 s22, $0xF00;
	[tilespmem:s21+$0x20] =	vst v1  }
0xee: {  	v1 =	vld [tilespmem:s10+$0xFFFFFFA0];
	[tilespmem:s21+$0x30] =	vst v2  }
0xef: {  	v2 =	vld [tilespmem:s10+$0xFFFFFFB0];
	[tilespmem:s21+$0x40] =	vst v3  }
0xf0: {  	v3 =	vld [tilespmem:s10+$0xFFFFFFC0];
	[tilespmem:s21+$0x50] =	vst v4  }
0xf1: {  	v4 =	vld [tilespmem:s10+$0xFFFFFFD0];
	[tilespmem:s21+$0x60] =	vst v5  }
0xf2: {  	v5 =	vld [tilespmem:s10+$0xFFFFFFE0]  }
0xf3: {  	v7 =	vld [tilespmem:s10+$0xFFFFFFF0]  }
0xf4: {  	v6 =	vld.idx.msk [tilespmem:v6+s19+$0x0], $0xffff  }
0xf5: {  	v8 =	vld [tilespmem:s10+$0x0]  }
0xf6: {  	v9 =	vld [tilespmem:s10+$0x10]  }
0xf7: {  	v10 =	vld [tilespmem:s10+$0x20]  }
0xf8: {  	v11 =	vld [tilespmem:s10+$0x30]  }
0xf9: {  	s21 =	sadd.s32 $0x100, s21;
	v12 =	vld [tilespmem:s10+$0x40]  }
0xfa: {  	v13 =	vld [tilespmem:s10+$0x50];
	[tilespmem:s21+$0x70] =	vst v6  }
0xfb: {  	v6 =	vld [tilespmem:s10+$0x60]  }
0xfc: {  	v14 =	vld [tilespmem:s10+$0xFFFFFF80]  }
0xfd: {  	v0 =	vld.idx.msk [tilespmem:v0+s19+$0x0], $0xffff  }
0xfe: {  	v1 =	vld.idx.msk [tilespmem:v1+s19+$0x0], $0xffff  }
0xff: {  	v2 =	vld.idx.msk [tilespmem:v2+s19+$0x0], $0xffff  }
0x100: {  	v3 =	vld.idx.msk [tilespmem:v3+s19+$0x0], $0xffff  }
0x101: {  	v4 =	vld.idx.msk [tilespmem:v4+s19+$0x0], $0xffff  }
0x102: {  	v5 =	vld.idx.msk [tilespmem:v5+s19+$0x0], $0xffff  }
0x103: {  	[tilespmem:s21+$0xFFFFFF90] =	vst v0;
	v7 =	vld.idx.msk [tilespmem:v7+s19+$0x0], $0xffff  }
0x104: {  	v14 =	vld.idx.msk [tilespmem:v14+s19+$0x0], $0xffff;
	[tilespmem:s21+$0xFFFFFFA0] =	vst v1  }
0x105: {  	[tilespmem:s21+$0xFFFFFFB0] =	vst v2;
	v8 =	vld.idx.msk [tilespmem:v8+s19+$0x0], $0xffff  }
0x106: {  	[tilespmem:s21+$0xFFFFFFC0] =	vst v3;
	v0 =	vld.idx.msk [tilespmem:v9+s19+$0x0], $0xffff  }
.Ltmp2:
0x107: {  	[tilespmem:s21+$0xFFFFFFD0] =	vst v4;
	v1 =	vld.idx.msk [tilespmem:v10+s19+$0x0], $0xffff;
	(pc) =	sbr.rel @p1 .LBB2_7-.Ltmp2, $4  }
0x108: {  	[tilespmem:s21+$0xFFFFFFE0] =	vst v5;
	v2 =	vld.idx.msk [tilespmem:v11+s19+$0x0], $0xffff  }
0x109: {  	[tilespmem:s21+$0xFFFFFFF0] =	vst v7;
	v3 =	vld.idx.msk [tilespmem:v12+s19+$0x0], $0xffff  }
0x10a: {  	[tilespmem:s21+$0xFFFFFF80] =	vst v14;
	v4 =	vld.idx.msk [tilespmem:v13+s19+$0x0], $0xffff  }
0x10b: {  	s10 =	sadd.s32 $0x100, s10;
	[tilespmem:s21+$0x0] =	vst v8;
	v5 =	vld.idx.msk [tilespmem:v6+s19+$0x0], $0xffff  }
0x10c: {  	[tilespmem:s21+$0x10] =	vst v0  }
0x10d: {  	[tilespmem:s21+$0x20] =	vst v1  }
0x10e: {  	[tilespmem:s21+$0x30] =	vst v2  }
0x10f: {  	s10 =	sadd.s32 s3, s9;
	[tilespmem:s21+$0x40] =	vst v3  }
0x110: {  	s10 =	sshrl.u32 s10, $0x3;
	[tilespmem:s21+$0x50] =	vst v4  }
0x111: {  	s10 =	sadd.s32 s5, s10;
	[tilespmem:s21+$0x60] =	vst v5  }
0x112: {  	[hbm4b:s10+s4] =	stream.linear.scatter [tilespmem:s26], [sflag:$0x7], $0x1000, $0x38;
	[tilespmem:$0x8080] =	vst v63  }
0x113: {  	s10 =	simm.s32 @p0 $0x4  }
0x114: {  	_ =	swait.ge @p0 [sflag:s10], $0x1000  }
0x115: {  	[sflag:s10] =	ssyncset.done @p0 $0x0  }
0x116: {  	s21 =	simm.s32 @!p0 $0x2000;
	[sflag:s10] =	ssyncadd.s32 @p0 $0xFFFFF000;
	s10 =	simm.s32 @!p0 $0x0  }
0x117: {  	[tilespmem:s21], [sflag:$0x3] =	stream.linear.gather @!p0 [hbm4b:s16+s10], $0x1000, $0x38;
	[tilespmem:$0x8080] =	vst v63  }
0x118: {  	s10 =	simm.s32 @!p0 $0x4  }
0x119: {  	s10 =	simm.s32 @p0 $0x8  }
0x11a: {  	_ =	swait.ge [sflag:s10], $0x1000  }
0x11b: {  	[sflag:s10] =	ssyncset.done $0x0  }
0x11c: {  	s22 =	simm.s32 $0x3080;
	[sflag:s10] =	ssyncadd.s32 $0xFFFFF000  }
0x11d: {  	v0 =	vld [tilespmem:s22+$0x70]  }
0x11e: {  	v1 =	vld [tilespmem:s22+$0xFFFFFF90]  }
0x11f: {  	v2 =	vld [tilespmem:s22+$0xFFFFFFA0]  }
0x120: {  	v3 =	vld [tilespmem:s22+$0xFFFFFFB0]  }
0x121: {  	v4 =	vld [tilespmem:s22+$0xFFFFFFC0]  }
0x122: {  	v5 =	vld [tilespmem:s22+$0xFFFFFFD0]  }
0x123: {  	v6 =	vld [tilespmem:s22+$0xFFFFFFE0]  }
0x124: {  	v7 =	vld [tilespmem:s22+$0xFFFFFFF0]  }
0x125: {  	v8 =	vld [tilespmem:s22+$0x0]  }
0x126: {  	v9 =	vld [tilespmem:s22+$0x10]  }
0x127: {  	v10 =	vld [tilespmem:s22+$0x20]  }
0x128: {  	v11 =	vld [tilespmem:s22+$0x30]  }
0x129: {  	v12 =	vld [tilespmem:s22+$0x40]  }
0x12a: {  	v13 =	vld [tilespmem:s22+$0x50]  }
0x12b: {  	v14 =	vld [tilespmem:s22+$0x60]  }
0x12c: {  	v15 =	vld [tilespmem:s22+$0xFFFFFF80]  }
0x12d: {  	v0 =	vld.idx.msk [tilespmem:v0+s19+$0x0], $0xffff  }
0x12e: {  	v1 =	vld.idx.msk [tilespmem:v1+s19+$0x0], $0xffff  }
0x12f: {  	v2 =	vld.idx.msk [tilespmem:v2+s19+$0x0], $0xffff  }
0x130: {  	v3 =	vld.idx.msk [tilespmem:v3+s19+$0x0], $0xffff  }
0x131: {  	v4 =	vld.idx.msk [tilespmem:v4+s19+$0x0], $0xffff  }
0x132: {  	s21 =	simm.s32 $0x7080;
	v5 =	vld.idx.msk [tilespmem:v5+s19+$0x0], $0xffff  }
0x133: {  	v6 =	vld.idx.msk [tilespmem:v6+s19+$0x0], $0xffff;
	[tilespmem:s21+$0x70] =	vst v0  }
0x134: {  	v7 =	vld.idx.msk [tilespmem:v7+s19+$0x0], $0xffff;
	[tilespmem:s21+$0xFFFFFF90] =	vst v1  }
0x135: {  	v15 =	vld.idx.msk [tilespmem:v15+s19+$0x0], $0xffff;
	[tilespmem:s21+$0xFFFFFFA0] =	vst v2  }
0x136: {  	v8 =	vld.idx.msk [tilespmem:v8+s19+$0x0], $0xffff;
	[tilespmem:s21+$0xFFFFFFB0] =	vst v3  }
0x137: {  	[tilespmem:s21+$0xFFFFFFC0] =	vst v4;
	v0 =	vld.idx.msk [tilespmem:v9+s19+$0x0], $0xffff  }
0x138: {  	[tilespmem:s21+$0xFFFFFFD0] =	vst v5;
	v1 =	vld.idx.msk [tilespmem:v10+s19+$0x0], $0xffff  }
0x139: {  	[tilespmem:s21+$0xFFFFFFE0] =	vst v6;
	v2 =	vld.idx.msk [tilespmem:v11+s19+$0x0], $0xffff  }
0x13a: {  	[tilespmem:s21+$0xFFFFFFF0] =	vst v7;
	v3 =	vld.idx.msk [tilespmem:v12+s19+$0x0], $0xffff  }
0x13b: {  	[tilespmem:s21+$0xFFFFFF80] =	vst v15;
	v4 =	vld.idx.msk [tilespmem:v13+s19+$0x0], $0xffff  }
0x13c: {  	s10 =	simm.s32 $0x3180;
	s22 =	simm.s32 $0x0;
	[tilespmem:s21+$0x0] =	vst v8;
	v5 =	vld.idx.msk [tilespmem:v14+s19+$0x0], $0xffff  }
.LBB2_9:
0x13d: {  	v6 =	vld [tilespmem:s10+$0x70];
	s22 =	sadd.s32 $0x100, s22;
	[tilespmem:s21+$0x10] =	vst v0  }
0x13e: {  	v0 =	vld [tilespmem:s10+$0xFFFFFF90];
	p1 =	slt.u32 s22, $0xF00;
	[tilespmem:s21+$0x20] =	vst v1  }
0x13f: {  	v1 =	vld [tilespmem:s10+$0xFFFFFFA0];
	[tilespmem:s21+$0x30] =	vst v2  }
0x140: {  	v2 =	vld [tilespmem:s10+$0xFFFFFFB0];
	[tilespmem:s21+$0x40] =	vst v3  }
0x141: {  	v3 =	vld [tilespmem:s10+$0xFFFFFFC0];
	[tilespmem:s21+$0x50] =	vst v4  }
0x142: {  	v4 =	vld [tilespmem:s10+$0xFFFFFFD0];
	[tilespmem:s21+$0x60] =	vst v5  }
0x143: {  	v5 =	vld [tilespmem:s10+$0xFFFFFFE0]  }
0x144: {  	v7 =	vld [tilespmem:s10+$0xFFFFFFF0]  }
0x145: {  	v6 =	vld.idx.msk [tilespmem:v6+s19+$0x0], $0xffff  }
0x146: {  	v8 =	vld [tilespmem:s10+$0x0]  }
0x147: {  	v9 =	vld [tilespmem:s10+$0x10]  }
0x148: {  	v10 =	vld [tilespmem:s10+$0x20]  }
0x149: {  	v11 =	vld [tilespmem:s10+$0x30]  }
0x14a: {  	s21 =	sadd.s32 $0x100, s21;
	v12 =	vld [tilespmem:s10+$0x40]  }
0x14b: {  	v13 =	vld [tilespmem:s10+$0x50];
	[tilespmem:s21+$0x70] =	vst v6  }
0x14c: {  	v6 =	vld [tilespmem:s10+$0x60]  }
0x14d: {  	v14 =	vld [tilespmem:s10+$0xFFFFFF80]  }
0x14e: {  	v0 =	vld.idx.msk [tilespmem:v0+s19+$0x0], $0xffff  }
0x14f: {  	v1 =	vld.idx.msk [tilespmem:v1+s19+$0x0], $0xffff  }
0x150: {  	v2 =	vld.idx.msk [tilespmem:v2+s19+$0x0], $0xffff  }
0x151: {  	v3 =	vld.idx.msk [tilespmem:v3+s19+$0x0], $0xffff  }
0x152: {  	v4 =	vld.idx.msk [tilespmem:v4+s19+$0x0], $0xffff  }
0x153: {  	v5 =	vld.idx.msk [tilespmem:v5+s19+$0x0], $0xffff  }
0x154: {  	[tilespmem:s21+$0xFFFFFF90] =	vst v0;
	v7 =	vld.idx.msk [tilespmem:v7+s19+$0x0], $0xffff  }
0x155: {  	v14 =	vld.idx.msk [tilespmem:v14+s19+$0x0], $0xffff;
	[tilespmem:s21+$0xFFFFFFA0] =	vst v1  }
0x156: {  	[tilespmem:s21+$0xFFFFFFB0] =	vst v2;
	v8 =	vld.idx.msk [tilespmem:v8+s19+$0x0], $0xffff  }
0x157: {  	[tilespmem:s21+$0xFFFFFFC0] =	vst v3;
	v0 =	vld.idx.msk [tilespmem:v9+s19+$0x0], $0xffff  }
.Ltmp3:
0x158: {  	[tilespmem:s21+$0xFFFFFFD0] =	vst v4;
	v1 =	vld.idx.msk [tilespmem:v10+s19+$0x0], $0xffff;
	(pc) =	sbr.rel @p1 .LBB2_9-.Ltmp3, $4  }
0x159: {  	[tilespmem:s21+$0xFFFFFFE0] =	vst v5;
	v2 =	vld.idx.msk [tilespmem:v11+s19+$0x0], $0xffff  }
0x15a: {  	[tilespmem:s21+$0xFFFFFFF0] =	vst v7;
	v3 =	vld.idx.msk [tilespmem:v12+s19+$0x0], $0xffff  }
0x15b: {  	[tilespmem:s21+$0xFFFFFF80] =	vst v14;
	v4 =	vld.idx.msk [tilespmem:v13+s19+$0x0], $0xffff  }
0x15c: {  	s10 =	sadd.s32 $0x100, s10;
	[tilespmem:s21+$0x0] =	vst v8;
	v5 =	vld.idx.msk [tilespmem:v6+s19+$0x0], $0xffff  }
0x15d: {  	[tilespmem:s21+$0x10] =	vst v0  }
0x15e: {  	[tilespmem:s21+$0x20] =	vst v1  }
0x15f: {  	[tilespmem:s21+$0x30] =	vst v2  }
.Ltmp4:
0x160: {  	s10 =	sadd.s32 s3, s13;
	[tilespmem:s21+$0x40] =	vst v3;
	(pc) =	sbr.rel @!p0 .LBB2_2-.Ltmp4, $4  }
0x161: {  	s10 =	sshrl.u32 s10, $0x3;
	[tilespmem:s21+$0x50] =	vst v4  }
0x162: {  	s10 =	sadd.s32 s5, s10;
	[tilespmem:s21+$0x60] =	vst v5  }
0x163: {  	[hbm4b:s10+s4] =	stream.linear.scatter [tilespmem:s28], [sflag:$0x8], $0x1000, $0x38;
	[tilespmem:$0x8080] =	vst v63  }
0x164: {  	p1 =	por $0x1, $0x1;
	s10 =	sadd.s32 s3, s17;
	s3 =	simm.s32 $0x4000  }
0x165: {  	_ =	swait.ge [sflag:s29], $0x1000  }
0x166: {  	[sflag:s29] =	ssyncset.done $0x0  }
0x167: {  	[sflag:s29] =	ssyncadd.s32 $0xFFFFF000  }
0x168: {  	_ =	swait.ge [sflag:s30], $0x1000  }
0x169: {  	[sflag:s30] =	ssyncset.done $0x0  }
0x16a: {  	s0 =	sadd.s32 $0x1, s0;
	[sflag:s30] =	ssyncadd.s32 $0xFFFFF000  }
0x16b: {  	p0 =	sne.s32 s0, s18;
	_ =	swait.ge [sflag:s31], $0x1000  }
.Ltmp5:
0x16c: {  	[sflag:s31] =	ssyncset.done $0x0;
	(pc) =	sbr.rel @p0 .LBB2_1-.Ltmp5, $4  }
0x16d: {  	[sflag:s31] =	ssyncadd.s32 $0xFFFFF000  }
0x16e: {  	_ =	swait.ge [sflag:s1], $0x1000  }
0x16f: {  	[sflag:s1] =	ssyncset.done $0x0  }
0x170: {  	[sflag:s1] =	ssyncadd.s32 $0xFFFFF000  }
0x171: {  	_ =	sfence.sel $0x180000  }
0x172: {  	[bflag:$0x0] =	sbarrier.arrive $0xFFFF  }
0x173: {  	_ =	strace $0x90000047  }
0x174: {  	s0 =	stileid.u32;
	[bflag:$0x2] =	sbarrier.arrive $0xFFFF  }
0x175: {  	p0 =	sne.s32 s0, $0x0;
	s0 =	rddreg [dreg:$0x3]  }
0x176: {  	s0 =	sadd.s32 @!p0 $0x100000, s0  }
0x177: {  	[sflag:s0] =	ssyncadd.tile.s32 @!p0 $0x1;
	_ =	shalt  }
.Lfunc_end2:
_tile_overlayer_lowered:
.L_overlay_start_2:
0x178: {  	(tag) =	ssettag $0x2  }
0x179: {  	s0 =	rddreg [dreg:$0x0];
	s2 =	stileid.u32  }
0x17a: {  	s1 =	rddreg [dreg:$0x1];
	p0 =	sne.s32 s2, $0x0  }
0x17b: {  	s3 =	rddreg [dreg:$0x2];
	[bflag:$0x3] =	sbarrier.arrive $0xFFFF;
	s2 =	simm.s32 @!p0 $0x1C09  }
0x17c: {  	[timem:s3], [sflag:s2] =	dma.local @!p0 [hbm:s0], s1  }
0x17d: {  	s0 =	simm.s32 @!p0 $0x9  }
0x17e: {  	_ =	swait.ge @!p0 [sflag:s0], s1  }
0x17f: {  	s1 =	ssub.s32 @!p0 $0x0, s1;
	[sflag:s0] =	ssyncset.done @!p0 $0x0  }
0x180: {  	[sflag:s0] =	ssyncadd.s32 @!p0 s1  }
0x181: {  	[bflag:$0x3] =	sbarrier.arrive $0xFFFF  }
0x182: {  	_ =	shalt  }

</sc_bundles>
